<compile_context>
chip_gen: v7x
topology: tpu7x:2x2x1
jax: 0.10.2.dev20260603
libtpu: 0.0.44.dev20260713+nightly
codegen_flags: <defaults>
</compile_context>

<pallas_src>
import functools

import jax
import jax.numpy as jnp
from jax import lax
from jax.experimental import pallas as pl
from jax.experimental.pallas import tpu as pltpu
from jax.experimental.pallas import tpu_sc as plsc
from jax._src.pallas import mpmd as _plmpmd

_NC = 2
_NS = 16
_NW = _NC * _NS
_ROWS = 13
_NG = _NW * _ROWS * 128
_LN = 16

_NT = 1024
_HWT = 7168
_QW = 24


def _sc_mesh():
  return plsc.VectorSubcoreMesh(
      core_axis_name="c", subcore_axis_name="s",
      num_cores=_NC, num_subcores=_NS)


def _sc_gather(table, gidx3):

  @functools.partial(
      pl.kernel,
      out_type=jax.ShapeDtypeStruct((_NW, _ROWS, 128), jnp.float32),
      mesh=_sc_mesh(),
      compiler_params=pltpu.CompilerParams(use_tc_tiling_on_sc=False),
      scratch_types=[
          pltpu.VMEM((_ROWS, 128), jnp.int32),
          pltpu.VMEM((_ROWS, 128), jnp.float32),
          pltpu.SemaphoreType.DMA,
      ],
  )
  def gk(table_hbm, idx_hbm, out_hbm, idx_v, rows_v, sem):
    wid = lax.axis_index("s") * _NC + lax.axis_index("c")
    pltpu.sync_copy(idx_hbm.at[wid], idx_v)
    copies = [
        pltpu.async_copy(table_hbm.at[idx_v.at[j]], rows_v.at[j], sem)
        for j in range(_ROWS)
    ]
    for c in copies:
      c.wait()
    pltpu.sync_copy(rows_v, out_hbm.at[wid])

  return gk(table, gidx3)


def _sc_scatter(y0, sidx3, supd3):

  def sk(y_in_hbm, idx_hbm, val_hbm, out_hbm, idx_v, val_v, sem):
    del y_in_hbm
    wid = lax.axis_index("s") * _NC + lax.axis_index("c")
    pltpu.sync_copy(idx_hbm.at[wid], idx_v)
    pltpu.sync_copy(val_hbm.at[wid], val_v)
    copies = [
        pltpu.async_copy(val_v.at[j], out_hbm.at[idx_v.at[j]], sem)
        for j in range(_ROWS)
    ]
    for c in copies:
      c.wait()

  fn = _plmpmd._mpmd_map(
      [(_sc_mesh(), sk)],
      jax.ShapeDtypeStruct(y0.shape, jnp.float32),
      input_output_aliases={0: 0},
      compiler_params=pltpu.CompilerParams(use_tc_tiling_on_sc=False),
      scratch_types=[
          pltpu.VMEM((_ROWS, 128), jnp.int32),
          pltpu.VMEM((_ROWS, 128), jnp.float32),
          pltpu.SemaphoreType.DMA,
      ],
  )
  return fn(y0, sidx3, supd3)


def _flash_body(xg_ref, b_ref, gv_ref, xf_ref, blk_ref, wqt_ref,
                wk_ref, sexp_ref, ssel_ref, wvt_ref, bq_ref, bv_ref, xb_ref,
                out_ref, qe_ref, acc_ref, *, nh):
  j = pl.program_id(1)

  @pl.when(j == 0)
  def _init():
    q = jnp.dot(xg_ref[...], wqt_ref[...],
                preferred_element_type=jnp.float32) + bq_ref[0:1, :]
    qk = jnp.dot(q, wk_ref[...], preferred_element_type=jnp.float32)
    mask = (blk_ref[0:1, :] == b_ref[...]).astype(jnp.float32)
    qe = jnp.dot(qk, sexp_ref[...],
                 preferred_element_type=jnp.float32) * mask
    qe = qe * 1.4426950408889634
    m = jnp.sqrt(jnp.sum(qe * qe, axis=1, keepdims=True)) * xb_ref[0:1, 0:1]
    oneh = (blk_ref[0:1, :] == 100).astype(jnp.float32)
    qe_ref[...] = qe - m * oneh
    acc_ref[...] = jnp.zeros_like(acc_ref[...])

  e = jnp.dot(qe_ref[...].astype(jnp.bfloat16), xf_ref[...],
              preferred_element_type=jnp.float32)
  p = jnp.exp2(e)
  acc_ref[...] = acc_ref[...] + jax.lax.dot_general(
      p.astype(jnp.bfloat16), xf_ref[...],
      dimension_numbers=(((1,), (1,)), ((), ())),
      preferred_element_type=jnp.float32)

  @pl.when(j == nh - 1)
  def _fin():
    mask = (blk_ref[0:1, :] == b_ref[...]).astype(jnp.float32)
    aexp = acc_ref[...] / (acc_ref[...][:, 20:21] + 1e-30)
    asel = jnp.dot(aexp * mask, ssel_ref[...],
                   preferred_element_type=jnp.float32)
    outv = jnp.dot(asel, wvt_ref[...],
                   preferred_element_type=jnp.float32) + bv_ref[0:1, :]
    out_ref[...] = xg_ref[...] + gv_ref[...] * outv


def _tc_flash(xg16, bvec, gv, xf24, blk8, wqt, wk, sexp, ssel, wvt,
              bq16, bv16, xb8, np_, hw):
  nn = np_ // _NT
  nh = hw // _HWT
  grid = (nn, nh)
  return pl.pallas_call(
      functools.partial(_flash_body, nh=nh),
      grid=grid,
      in_specs=[
          pl.BlockSpec((_NT, _LN), lambda i, j: (i, 0)),
          pl.BlockSpec((_NT, 1), lambda i, j: (i, 0)),
          pl.BlockSpec((_NT, 1), lambda i, j: (i, 0)),
          pl.BlockSpec((_QW, _HWT), lambda i, j: (0, j)),
          pl.BlockSpec((8, _QW), lambda i, j: (0, 0)),
          pl.BlockSpec((_LN, _LN), lambda i, j: (0, 0)),
          pl.BlockSpec((_LN, _LN), lambda i, j: (0, 0)),
          pl.BlockSpec((_LN, _QW), lambda i, j: (0, 0)),
          pl.BlockSpec((_QW, _LN), lambda i, j: (0, 0)),
          pl.BlockSpec((_LN, _LN), lambda i, j: (0, 0)),
          pl.BlockSpec((8, _LN), lambda i, j: (0, 0)),
          pl.BlockSpec((8, _LN), lambda i, j: (0, 0)),
          pl.BlockSpec((8, 8), lambda i, j: (0, 0)),
      ],
      out_specs=pl.BlockSpec((_NT, _LN), lambda i, j: (i, 0)),
      out_shape=jax.ShapeDtypeStruct((np_, _LN), jnp.float32),
      scratch_shapes=[
          pltpu.VMEM((_NT, _QW), jnp.float32),
          pltpu.VMEM((_NT, _QW), jnp.float32),
      ],
  )(xg16, bvec, gv, xf24, blk8, wqt, wk, sexp, ssel, wvt, bq16, bv16, xb8)


def _padw(w):
  return jnp.pad(w, ((0, _LN - w.shape[0]), (0, _LN - w.shape[1])))


def kernel(index, index_len, x, x_teature, gamma, Wq, bq, Wk, bk, Wv, bv):
  del x_teature, bk
  B, C, H, W = x.shape
  HW = H * W
  BCHW = B * C * HW
  N = index.shape[0]
  NP = ((N + _NT - 1) // _NT) * _NT

  b_i = index[:, 0].astype(jnp.int32)
  p_i = (index[:, 1] * W + index[:, 2]).astype(jnp.int32)
  word = (b_i * C)[:, None] * HW + jnp.arange(C, dtype=jnp.int32)[None, :] * HW \
      + p_i[:, None]
  wflat = word.reshape(N * C)

  gidx = jnp.concatenate(
      [wflat, jnp.arange(_NG - N * C, dtype=jnp.int32) % BCHW]).reshape(
          _NW, _ROWS, 128)
  xg_words = _sc_gather(x.reshape(BCHW), gidx).reshape(_NG)
  xg16 = jnp.pad(xg_words[:N * C].reshape(N, C),
                 ((0, NP - N), (0, _LN - C)))

  nvalid = jnp.minimum(index_len, N)
  gv = jnp.where(jnp.arange(NP) < nvalid, gamma, 0.0).astype(
      jnp.float32)[:, None]
  bvec = jnp.pad(b_i, (0, NP - N))[:, None]
  xf24 = jnp.concatenate([
      x.reshape(B * C, HW).astype(jnp.bfloat16),
      jnp.ones((1, HW), jnp.bfloat16),
      jnp.zeros((_QW - B * C - 1, HW), jnp.bfloat16),
  ])
  xb8 = jnp.full((8, 8), jnp.sqrt(jnp.max(jnp.sum(x * x, axis=1))),
                 jnp.float32)
  blk8 = jnp.tile(
      jnp.concatenate([jnp.repeat(jnp.arange(B, dtype=jnp.int32), C),
                       jnp.array([100], jnp.int32),
                       jnp.full((_QW - B * C - 1,), 99, jnp.int32)])[None, :],
      (8, 1))
  sexp = jnp.concatenate(
      [jnp.pad(jnp.eye(C, dtype=jnp.float32), ((0, _LN - C), (0, 0)))] * B,
      axis=1)
  sexp = jnp.pad(sexp, ((0, 0), (0, _QW - B * C)))
  ssel = sexp.T
  bq16 = jnp.tile(jnp.pad(bq, (0, _LN - C))[None, :], (8, 1))
  bv16 = jnp.tile(jnp.pad(bv, (0, _LN - C))[None, :], (8, 1))
  upd = _tc_flash(xg16, bvec, gv, xf24, blk8, _padw(Wq.T), _padw(Wk),
                  sexp, ssel, _padw(Wv.T), bq16, bv16, xb8, NP, HW)

  updflat = upd[:, :C].reshape(NP * C)[:N * C]
  supd = jnp.concatenate(
      [updflat, updflat[:_NG - N * C]]).reshape(_NW, _ROWS, 128)
  sidx = jnp.concatenate(
      [wflat, wflat[:_NG - N * C]]).reshape(_NW, _ROWS, 128)
  yext = _sc_scatter(x.reshape(BCHW), sidx, supd)
  y = yext.reshape(B, C, H, W)
  return (y, y)

# --- scband reference (transcript-rebuilt; emitter-appended) ---
"""Pipeline reference for scband-return-pix-86406152061376 (READ-ONLY COPY).

The authoritative reference and input builder live on the scoring server;
editing this copy changes nothing except your own understanding.
"""

import jax, jax.numpy as jnp
import numpy as np


def _conv1x1(inp, Wt, bt):
    # 1x1 Conv2d == per-pixel linear map over channels
    return jnp.einsum('bchw,oc->bohw', inp, Wt) + bt[None, :, None, None]


def _forward(index, index_len, x, x_teature, gamma, Wq, bq, Wk, bk, Wv, bv):
    B, C, H, W = x.shape
    HW = H * W
    x_query = _conv1x1(x, Wq, bq)
    x_key = _conv1x1(x, Wk, bk)
    x_val = _conv1x1(x, Wv, bv)
    # teacher branch is computed in the original forward but never used in the output
    _xqT = _conv1x1(x_teature, Wq, bq)
    _xkT = _conv1x1(x_teature, Wk, bk)
    Kf = x_key.reshape(B, C, HW)
    Vf = x_val.reshape(B, C, HW)
    N = index.shape[0]
    valid = jnp.arange(N) < index_len
    idx = index
    b_i = idx[:, 0]
    h_i = idx[:, 1]
    w_i = idx[:, 2]
    # gather query feature vector at each selected pixel: [N, C]
    q = x_query[b_i, :, h_i, w_i]
    chunk = 200
    nchunks = N // chunk
    qc = q.reshape(nchunks, chunk, C)
    bc = b_i.reshape(nchunks, chunk)

    def chunk_fn(args):
        qb, bb = args
        Kc = Kf[bb]            # [chunk, C, HW] gather of key map per pixel's batch
        Vc = Vf[bb]            # [chunk, C, HW]
        energy = jnp.einsum('nc,ncp->np', qb, Kc)   # bmm(q^T, K)
        attn = jax.nn.softmax(energy, axis=-1)      # softmax over all H*W pixels
        return jnp.einsum('ncp,np->nc', Vc, attn)   # bmm(V, attn^T)

    outs = jax.lax.map(jax.checkpoint(chunk_fn), (qc, bc))
    outS = outs.reshape(N, C)
    x_pix = x[b_i, :, h_i, w_i]
    upd = jnp.where(valid[:, None], gamma * outS + x_pix, x_pix)
    y = x.at[b_i[:, None], jnp.arange(C)[None, :], h_i[:, None], w_i[:, None]].set(upd)
    return y


def setup_inputs(seed: int = 0):
    key = jax.random.key(seed)
    ks = jax.random.split(key, 12)
    B, C, H, W = 4, 5, 224, 224
    N = 10000
    x = jax.random.normal(ks[0], (B, C, H, W), dtype=jnp.float32)
    x_teature = jax.random.normal(ks[1], (B, C, H, W), dtype=jnp.float32)
    b_i = jax.random.randint(ks[2], (N, 1), 0, B)
    h_i = jax.random.randint(ks[3], (N, 1), 0, H)
    w_i = jax.random.randint(ks[4], (N, 1), 0, W)
    index = jnp.concatenate([b_i, h_i, w_i], axis=1)
    gamma = jnp.array(0.5, dtype=jnp.float32)
    Wq = jax.random.normal(ks[5], (C, C), dtype=jnp.float32) / np.sqrt(C)
    bq = jax.random.normal(ks[6], (C,), dtype=jnp.float32) * 0.02
    Wk = jax.random.normal(ks[7], (C, C), dtype=jnp.float32) / np.sqrt(C)
    bk = jax.random.normal(ks[8], (C,), dtype=jnp.float32) * 0.02
    Wv = jax.random.normal(ks[9], (C, C), dtype=jnp.float32) / np.sqrt(C)
    bv = jax.random.normal(ks[10], (C,), dtype=jnp.float32) * 0.02
    return {"index": index, "index_len": N, "x": x, "x_teature": x_teature,
            "gamma": gamma, "Wq": Wq, "bq": bq, "Wk": Wk, "bk": bk, "Wv": Wv, "bv": bv}


def reference(index, index_len, x, x_teature, gamma, Wq, bq, Wk, bk, Wv, bv):
    y = _forward(index, index_len, x, x_teature, gamma, Wq, bq, Wk, bk, Wv, bv)
    return (y, y)

if __name__ == "__main__":
    import jax
    _d = setup_inputs()
    print(jax.jit(kernel)(*tuple(_d.values())))

</pallas_src>

<mosaic_0001>
#map = affine_map<(d0, d1) -> (0)>
#map1 = affine_map<(d0, d1) -> (0, 0, 0)>
module attributes {stable_mosaic.version = 14 : i64} {
  func.func @gk(%arg0: i32, %arg1: i32, %arg2: memref<1003520xf32, #tpu.memory_space<hbm>>, %arg3: memref<32x13x128xi32, #tpu.memory_space<hbm>>, %arg4: memref<32x13x128xf32, #tpu.memory_space<hbm>>, %arg5: memref<13x128xi32, #tpu.memory_space<vmem>>, %arg6: memref<13x128xf32, #tpu.memory_space<vmem>>, %arg7: memref<!tpu.dma_semaphore, #tpu.memory_space<semaphore_mem>>) attributes {dimension_semantics = [#tpu.dimension_semantics<core_parallel>, #tpu.dimension_semantics<subcore_parallel>], iteration_bounds = array<i64: 2, 16>, scalar_prefetch = 0 : i64, scratch_operands = 3 : i64, tpu.core_type = #tpu.core_type<sc_vector_subcore>, window_params = [{transform_indices = #map}, {transform_indices = #map1}, {transform_indices = #map1}]} {
    %mul3A = arith.constant 2 : i32
    %mul3A_0 = arith.muli %arg1, %mul3A : i32
    %add3A = arith.addi %mul3A_0, %arg0 : i32
    "tpu.region"() ({
      %run_scoped3A = tpu.sem_alloc : memref<!tpu.dma_semaphore, #tpu.memory_space<semaphore_mem>>
      %dma_start3A_259 = arith.constant 0 : i32
      %dma_start3A_260 = arith.constant 0 : i32
      %dma_start3A_261 = tpu.memref_slice %arg3[%add3A, %dma_start3A_259, %dma_start3A_260] : memref<32x13x128xi32, #tpu.memory_space<hbm>> -> memref<1x13x128xi32, #tpu.memory_space<hbm>>
      %dma_start3A_262 = tpu.memref_squeeze %dma_start3A_261 : memref<1x13x128xi32, #tpu.memory_space<hbm>> -> memref<13x128xi32, #tpu.memory_space<hbm>>
      %dma_start3A_263 = arith.constant 0 : i32
      %dma_start3A_264 = arith.constant 0 : i32
      %dma_start3A_265 = tpu.memref_slice %arg3[%add3A, %dma_start3A_263, %dma_start3A_264] : memref<32x13x128xi32, #tpu.memory_space<hbm>> -> memref<1x13x128xi32, #tpu.memory_space<hbm>>
      %dma_start3A_266 = tpu.memref_squeeze %dma_start3A_265 : memref<1x13x128xi32, #tpu.memory_space<hbm>> -> memref<13x128xi32, #tpu.memory_space<hbm>>
      tpu.enqueue_dma source(%dma_start3A_266 : memref<13x128xi32, #tpu.memory_space<hbm>>) target(%arg5 : memref<13x128xi32, #tpu.memory_space<vmem>>) target_semaphore(%run_scoped3A : memref<!tpu.dma_semaphore, #tpu.memory_space<semaphore_mem>>)
      %dma_wait3A_267 = arith.constant 0 : i32
      %dma_wait3A_268 = arith.constant 0 : i32
      %dma_wait3A_269 = tpu.memref_slice %arg3[%add3A, %dma_wait3A_267, %dma_wait3A_268] : memref<32x13x128xi32, #tpu.memory_space<hbm>> -> memref<1x13x128xi32, #tpu.memory_space<hbm>>
      %dma_wait3A_270 = tpu.memref_squeeze %dma_wait3A_269 : memref<1x13x128xi32, #tpu.memory_space<hbm>> -> memref<13x128xi32, #tpu.memory_space<hbm>>
      %dma_wait3A_271 = arith.constant 0 : i32
      %dma_wait3A_272 = arith.constant 0 : i32
      %dma_wait3A_273 = tpu.memref_slice %arg3[%add3A, %dma_wait3A_271, %dma_wait3A_272] : memref<32x13x128xi32, #tpu.memory_space<hbm>> -> memref<1x13x128xi32, #tpu.memory_space<hbm>>
      %dma_wait3A_274 = tpu.memref_squeeze %dma_wait3A_273 : memref<1x13x128xi32, #tpu.memory_space<hbm>> -> memref<13x128xi32, #tpu.memory_space<hbm>>
      tpu.wait_dma2 semaphore(%run_scoped3A : memref<!tpu.dma_semaphore, #tpu.memory_space<semaphore_mem>>) src(%dma_wait3A_274 : memref<13x128xi32, #tpu.memory_space<hbm>>) dst(%arg5 : memref<13x128xi32, #tpu.memory_space<vmem>>)
      tpu.yield
    }) : () -> ()
    %dma_start3A = arith.constant 0 : i32
    %dma_start3A_1 = arith.constant 0 : i32
    %dma_start3A_2 = arith.constant 0 : i32
    %dma_start3A_3 = tpu.memref_slice %arg6[%dma_start3A_1, %dma_start3A_2] : memref<13x128xf32, #tpu.memory_space<vmem>> -> memref<1x128xf32, #tpu.memory_space<vmem>>
    %dma_start3A_4 = tpu.memref_squeeze %dma_start3A_3 : memref<1x128xf32, #tpu.memory_space<vmem>> -> memref<128xf32, #tpu.memory_space<vmem>>
    %dma_start3A_5 = arith.constant 0 : i32
    %dma_start3A_6 = tpu.memref_slice %arg5[%dma_start3A, %dma_start3A_5] : memref<13x128xi32, #tpu.memory_space<vmem>> -> memref<1x128xi32, #tpu.memory_space<vmem>>
    %dma_start3A_7 = tpu.memref_squeeze %dma_start3A_6 : memref<1x128xi32, #tpu.memory_space<vmem>> -> memref<128xi32, #tpu.memory_space<vmem>>
    %dma_start3A_8 = arith.constant 0 : i32
    %dma_start3A_9 = tpu.memref_slice %arg2[%dma_start3A_8] : memref<1003520xf32, #tpu.memory_space<hbm>> -> memref<1003520xf32, #tpu.memory_space<hbm>>
    tpu.enqueue_indirect_dma source(%dma_start3A_9 : memref<1003520xf32, #tpu.memory_space<hbm>>) target(%dma_start3A_4 : memref<128xf32, #tpu.memory_space<vmem>>) offsets(%dma_start3A_7 : memref<128xi32, #tpu.memory_space<vmem>>) semaphore(%arg7 : memref<!tpu.dma_semaphore, #tpu.memory_space<semaphore_mem>>)
    %dma_start3A_10 = arith.constant 1 : i32
    %dma_start3A_11 = arith.constant 1 : i32
    %dma_start3A_12 = arith.constant 0 : i32
    %dma_start3A_13 = tpu.memref_slice %arg6[%dma_start3A_11, %dma_start3A_12] : memref<13x128xf32, #tpu.memory_space<vmem>> -> memref<1x128xf32, #tpu.memory_space<vmem>>
    %dma_start3A_14 = tpu.memref_squeeze %dma_start3A_13 : memref<1x128xf32, #tpu.memory_space<vmem>> -> memref<128xf32, #tpu.memory_space<vmem>>
    %dma_start3A_15 = arith.constant 0 : i32
    %dma_start3A_16 = tpu.memref_slice %arg5[%dma_start3A_10, %dma_start3A_15] : memref<13x128xi32, #tpu.memory_space<vmem>> -> memref<1x128xi32, #tpu.memory_space<vmem>>
    %dma_start3A_17 = tpu.memref_squeeze %dma_start3A_16 : memref<1x128xi32, #tpu.memory_space<vmem>> -> memref<128xi32, #tpu.memory_space<vmem>>
    %dma_start3A_18 = arith.constant 0 : i32
    %dma_start3A_19 = tpu.memref_slice %arg2[%dma_start3A_18] : memref<1003520xf32, #tpu.memory_space<hbm>> -> memref<1003520xf32, #tpu.memory_space<hbm>>
    tpu.enqueue_indirect_dma source(%dma_start3A_19 : memref<1003520xf32, #tpu.memory_space<hbm>>) target(%dma_start3A_14 : memref<128xf32, #tpu.memory_space<vmem>>) offsets(%dma_start3A_17 : memref<128xi32, #tpu.memory_space<vmem>>) semaphore(%arg7 : memref<!tpu.dma_semaphore, #tpu.memory_space<semaphore_mem>>)
    %dma_start3A_20 = arith.constant 2 : i32
    %dma_start3A_21 = arith.constant 2 : i32
    %dma_start3A_22 = arith.constant 0 : i32
    %dma_start3A_23 = tpu.memref_slice %arg6[%dma_start3A_21, %dma_start3A_22] : memref<13x128xf32, #tpu.memory_space<vmem>> -> memref<1x128xf32, #tpu.memory_space<vmem>>
    %dma_start3A_24 = tpu.memref_squeeze %dma_start3A_23 : memref<1x128xf32, #tpu.memory_space<vmem>> -> memref<128xf32, #tpu.memory_space<vmem>>
    %dma_start3A_25 = arith.constant 0 : i32
    %dma_start3A_26 = tpu.memref_slice %arg5[%dma_start3A_20, %dma_start3A_25] : memref<13x128xi32, #tpu.memory_space<vmem>> -> memref<1x128xi32, #tpu.memory_space<vmem>>
    %dma_start3A_27 = tpu.memref_squeeze %dma_start3A_26 : memref<1x128xi32, #tpu.memory_space<vmem>> -> memref<128xi32, #tpu.memory_space<vmem>>
    %dma_start3A_28 = arith.constant 0 : i32
    %dma_start3A_29 = tpu.memref_slice %arg2[%dma_start3A_28] : memref<1003520xf32, #tpu.memory_space<hbm>> -> memref<1003520xf32, #tpu.memory_space<hbm>>
    tpu.enqueue_indirect_dma source(%dma_start3A_29 : memref<1003520xf32, #tpu.memory_space<hbm>>) target(%dma_start3A_24 : memref<128xf32, #tpu.memory_space<vmem>>) offsets(%dma_start3A_27 : memref<128xi32, #tpu.memory_space<vmem>>) semaphore(%arg7 : memref<!tpu.dma_semaphore, #tpu.memory_space<semaphore_mem>>)
    %dma_start3A_30 = arith.constant 3 : i32
    %dma_start3A_31 = arith.constant 3 : i32
    %dma_start3A_32 = arith.constant 0 : i32
    %dma_start3A_33 = tpu.memref_slice %arg6[%dma_start3A_31, %dma_start3A_32] : memref<13x128xf32, #tpu.memory_space<vmem>> -> memref<1x128xf32, #tpu.memory_space<vmem>>
    %dma_start3A_34 = tpu.memref_squeeze %dma_start3A_33 : memref<1x128xf32, #tpu.memory_space<vmem>> -> memref<128xf32, #tpu.memory_space<vmem>>
    %dma_start3A_35 = arith.constant 0 : i32
    %dma_start3A_36 = tpu.memref_slice %arg5[%dma_start3A_30, %dma_start3A_35] : memref<13x128xi32, #tpu.memory_space<vmem>> -> memref<1x128xi32, #tpu.memory_space<vmem>>
    %dma_start3A_37 = tpu.memref_squeeze %dma_start3A_36 : memref<1x128xi32, #tpu.memory_space<vmem>> -> memref<128xi32, #tpu.memory_space<vmem>>
    %dma_start3A_38 = arith.constant 0 : i32
    %dma_start3A_39 = tpu.memref_slice %arg2[%dma_start3A_38] : memref<1003520xf32, #tpu.memory_space<hbm>> -> memref<1003520xf32, #tpu.memory_space<hbm>>
    tpu.enqueue_indirect_dma source(%dma_start3A_39 : memref<1003520xf32, #tpu.memory_space<hbm>>) target(%dma_start3A_34 : memref<128xf32, #tpu.memory_space<vmem>>) offsets(%dma_start3A_37 : memref<128xi32, #tpu.memory_space<vmem>>) semaphore(%arg7 : memref<!tpu.dma_semaphore, #tpu.memory_space<semaphore_mem>>)
    %dma_start3A_40 = arith.constant 4 : i32
    %dma_start3A_41 = arith.constant 4 : i32
    %dma_start3A_42 = arith.constant 0 : i32
    %dma_start3A_43 = tpu.memref_slice %arg6[%dma_start3A_41, %dma_start3A_42] : memref<13x128xf32, #tpu.memory_space<vmem>> -> memref<1x128xf32, #tpu.memory_space<vmem>>
    %dma_start3A_44 = tpu.memref_squeeze %dma_start3A_43 : memref<1x128xf32, #tpu.memory_space<vmem>> -> memref<128xf32, #tpu.memory_space<vmem>>
    %dma_start3A_45 = arith.constant 0 : i32
    %dma_start3A_46 = tpu.memref_slice %arg5[%dma_start3A_40, %dma_start3A_45] : memref<13x128xi32, #tpu.memory_space<vmem>> -> memref<1x128xi32, #tpu.memory_space<vmem>>
    %dma_start3A_47 = tpu.memref_squeeze %dma_start3A_46 : memref<1x128xi32, #tpu.memory_space<vmem>> -> memref<128xi32, #tpu.memory_space<vmem>>
    %dma_start3A_48 = arith.constant 0 : i32
    %dma_start3A_49 = tpu.memref_slice %arg2[%dma_start3A_48] : memref<1003520xf32, #tpu.memory_space<hbm>> -> memref<1003520xf32, #tpu.memory_space<hbm>>
    tpu.enqueue_indirect_dma source(%dma_start3A_49 : memref<1003520xf32, #tpu.memory_space<hbm>>) target(%dma_start3A_44 : memref<128xf32, #tpu.memory_space<vmem>>) offsets(%dma_start3A_47 : memref<128xi32, #tpu.memory_space<vmem>>) semaphore(%arg7 : memref<!tpu.dma_semaphore, #tpu.memory_space<semaphore_mem>>)
    %dma_start3A_50 = arith.constant 5 : i32
    %dma_start3A_51 = arith.constant 5 : i32
    %dma_start3A_52 = arith.constant 0 : i32
    %dma_start3A_53 = tpu.memref_slice %arg6[%dma_start3A_51, %dma_start3A_52] : memref<13x128xf32, #tpu.memory_space<vmem>> -> memref<1x128xf32, #tpu.memory_space<vmem>>
    %dma_start3A_54 = tpu.memref_squeeze %dma_start3A_53 : memref<1x128xf32, #tpu.memory_space<vmem>> -> memref<128xf32, #tpu.memory_space<vmem>>
    %dma_start3A_55 = arith.constant 0 : i32
    %dma_start3A_56 = tpu.memref_slice %arg5[%dma_start3A_50, %dma_start3A_55] : memref<13x128xi32, #tpu.memory_space<vmem>> -> memref<1x128xi32, #tpu.memory_space<vmem>>
    %dma_start3A_57 = tpu.memref_squeeze %dma_start3A_56 : memref<1x128xi32, #tpu.memory_space<vmem>> -> memref<128xi32, #tpu.memory_space<vmem>>
    %dma_start3A_58 = arith.constant 0 : i32
    %dma_start3A_59 = tpu.memref_slice %arg2[%dma_start3A_58] : memref<1003520xf32, #tpu.memory_space<hbm>> -> memref<1003520xf32, #tpu.memory_space<hbm>>
    tpu.enqueue_indirect_dma source(%dma_start3A_59 : memref<1003520xf32, #tpu.memory_space<hbm>>) target(%dma_start3A_54 : memref<128xf32, #tpu.memory_space<vmem>>) offsets(%dma_start3A_57 : memref<128xi32, #tpu.memory_space<vmem>>) semaphore(%arg7 : memref<!tpu.dma_semaphore, #tpu.memory_space<semaphore_mem>>)
    %dma_start3A_60 = arith.constant 6 : i32
    %dma_start3A_61 = arith.constant 6 : i32
    %dma_start3A_62 = arith.constant 0 : i32
    %dma_start3A_63 = tpu.memref_slice %arg6[%dma_start3A_61, %dma_start3A_62] : memref<13x128xf32, #tpu.memory_space<vmem>> -> memref<1x128xf32, #tpu.memory_space<vmem>>
    %dma_start3A_64 = tpu.memref_squeeze %dma_start3A_63 : memref<1x128xf32, #tpu.memory_space<vmem>> -> memref<128xf32, #tpu.memory_space<vmem>>
    %dma_start3A_65 = arith.constant 0 : i32
    %dma_start3A_66 = tpu.memref_slice %arg5[%dma_start3A_60, %dma_start3A_65] : memref<13x128xi32, #tpu.memory_space<vmem>> -> memref<1x128xi32, #tpu.memory_space<vmem>>
    %dma_start3A_67 = tpu.memref_squeeze %dma_start3A_66 : memref<1x128xi32, #tpu.memory_space<vmem>> -> memref<128xi32, #tpu.memory_space<vmem>>
    %dma_start3A_68 = arith.constant 0 : i32
    %dma_start3A_69 = tpu.memref_slice %arg2[%dma_start3A_68] : memref<1003520xf32, #tpu.memory_space<hbm>> -> memref<1003520xf32, #tpu.memory_space<hbm>>
    tpu.enqueue_indirect_dma source(%dma_start3A_69 : memref<1003520xf32, #tpu.memory_space<hbm>>) target(%dma_start3A_64 : memref<128xf32, #tpu.memory_space<vmem>>) offsets(%dma_start3A_67 : memref<128xi32, #tpu.memory_space<vmem>>) semaphore(%arg7 : memref<!tpu.dma_semaphore, #tpu.memory_space<semaphore_mem>>)
    %dma_start3A_70 = arith.constant 7 : i32
    %dma_start3A_71 = arith.constant 7 : i32
    %dma_start3A_72 = arith.constant 0 : i32
    %dma_start3A_73 = tpu.memref_slice %arg6[%dma_start3A_71, %dma_start3A_72] : memref<13x128xf32, #tpu.memory_space<vmem>> -> memref<1x128xf32, #tpu.memory_space<vmem>>
    %dma_start3A_74 = tpu.memref_squeeze %dma_start3A_73 : memref<1x128xf32, #tpu.memory_space<vmem>> -> memref<128xf32, #tpu.memory_space<vmem>>
    %dma_start3A_75 = arith.constant 0 : i32
    %dma_start3A_76 = tpu.memref_slice %arg5[%dma_start3A_70, %dma_start3A_75] : memref<13x128xi32, #tpu.memory_space<vmem>> -> memref<1x128xi32, #tpu.memory_space<vmem>>
    %dma_start3A_77 = tpu.memref_squeeze %dma_start3A_76 : memref<1x128xi32, #tpu.memory_space<vmem>> -> memref<128xi32, #tpu.memory_space<vmem>>
    %dma_start3A_78 = arith.constant 0 : i32
    %dma_start3A_79 = tpu.memref_slice %arg2[%dma_start3A_78] : memref<1003520xf32, #tpu.memory_space<hbm>> -> memref<1003520xf32, #tpu.memory_space<hbm>>
    tpu.enqueue_indirect_dma source(%dma_start3A_79 : memref<1003520xf32, #tpu.memory_space<hbm>>) target(%dma_start3A_74 : memref<128xf32, #tpu.memory_space<vmem>>) offsets(%dma_start3A_77 : memref<128xi32, #tpu.memory_space<vmem>>) semaphore(%arg7 : memref<!tpu.dma_semaphore, #tpu.memory_space<semaphore_mem>>)
    %dma_start3A_80 = arith.constant 8 : i32
    %dma_start3A_81 = arith.constant 8 : i32
    %dma_start3A_82 = arith.constant 0 : i32
    %dma_start3A_83 = tpu.memref_slice %arg6[%dma_start3A_81, %dma_start3A_82] : memref<13x128xf32, #tpu.memory_space<vmem>> -> memref<1x128xf32, #tpu.memory_space<vmem>>
    %dma_start3A_84 = tpu.memref_squeeze %dma_start3A_83 : memref<1x128xf32, #tpu.memory_space<vmem>> -> memref<128xf32, #tpu.memory_space<vmem>>
    %dma_start3A_85 = arith.constant 0 : i32
    %dma_start3A_86 = tpu.memref_slice %arg5[%dma_start3A_80, %dma_start3A_85] : memref<13x128xi32, #tpu.memory_space<vmem>> -> memref<1x128xi32, #tpu.memory_space<vmem>>
    %dma_start3A_87 = tpu.memref_squeeze %dma_start3A_86 : memref<1x128xi32, #tpu.memory_space<vmem>> -> memref<128xi32, #tpu.memory_space<vmem>>
    %dma_start3A_88 = arith.constant 0 : i32
    %dma_start3A_89 = tpu.memref_slice %arg2[%dma_start3A_88] : memref<1003520xf32, #tpu.memory_space<hbm>> -> memref<1003520xf32, #tpu.memory_space<hbm>>
    tpu.enqueue_indirect_dma source(%dma_start3A_89 : memref<1003520xf32, #tpu.memory_space<hbm>>) target(%dma_start3A_84 : memref<128xf32, #tpu.memory_space<vmem>>) offsets(%dma_start3A_87 : memref<128xi32, #tpu.memory_space<vmem>>) semaphore(%arg7 : memref<!tpu.dma_semaphore, #tpu.memory_space<semaphore_mem>>)
    %dma_start3A_90 = arith.constant 9 : i32
    %dma_start3A_91 = arith.constant 9 : i32
    %dma_start3A_92 = arith.constant 0 : i32
    %dma_start3A_93 = tpu.memref_slice %arg6[%dma_start3A_91, %dma_start3A_92] : memref<13x128xf32, #tpu.memory_space<vmem>> -> memref<1x128xf32, #tpu.memory_space<vmem>>
    %dma_start3A_94 = tpu.memref_squeeze %dma_start3A_93 : memref<1x128xf32, #tpu.memory_space<vmem>> -> memref<128xf32, #tpu.memory_space<vmem>>
    %dma_start3A_95 = arith.constant 0 : i32
    %dma_start3A_96 = tpu.memref_slice %arg5[%dma_start3A_90, %dma_start3A_95] : memref<13x128xi32, #tpu.memory_space<vmem>> -> memref<1x128xi32, #tpu.memory_space<vmem>>
    %dma_start3A_97 = tpu.memref_squeeze %dma_start3A_96 : memref<1x128xi32, #tpu.memory_space<vmem>> -> memref<128xi32, #tpu.memory_space<vmem>>
    %dma_start3A_98 = arith.constant 0 : i32
    %dma_start3A_99 = tpu.memref_slice %arg2[%dma_start3A_98] : memref<1003520xf32, #tpu.memory_space<hbm>> -> memref<1003520xf32, #tpu.memory_space<hbm>>
    tpu.enqueue_indirect_dma source(%dma_start3A_99 : memref<1003520xf32, #tpu.memory_space<hbm>>) target(%dma_start3A_94 : memref<128xf32, #tpu.memory_space<vmem>>) offsets(%dma_start3A_97 : memref<128xi32, #tpu.memory_space<vmem>>) semaphore(%arg7 : memref<!tpu.dma_semaphore, #tpu.memory_space<semaphore_mem>>)
    %dma_start3A_100 = arith.constant 10 : i32
    %dma_start3A_101 = arith.constant 10 : i32
    %dma_start3A_102 = arith.constant 0 : i32
    %dma_start3A_103 = tpu.memref_slice %arg6[%dma_start3A_101, %dma_start3A_102] : memref<13x128xf32, #tpu.memory_space<vmem>> -> memref<1x128xf32, #tpu.memory_space<vmem>>
    %dma_start3A_104 = tpu.memref_squeeze %dma_start3A_103 : memref<1x128xf32, #tpu.memory_space<vmem>> -> memref<128xf32, #tpu.memory_space<vmem>>
    %dma_start3A_105 = arith.constant 0 : i32
    %dma_start3A_106 = tpu.memref_slice %arg5[%dma_start3A_100, %dma_start3A_105] : memref<13x128xi32, #tpu.memory_space<vmem>> -> memref<1x128xi32, #tpu.memory_space<vmem>>
    %dma_start3A_107 = tpu.memref_squeeze %dma_start3A_106 : memref<1x128xi32, #tpu.memory_space<vmem>> -> memref<128xi32, #tpu.memory_space<vmem>>
    %dma_start3A_108 = arith.constant 0 : i32
    %dma_start3A_109 = tpu.memref_slice %arg2[%dma_start3A_108] : memref<1003520xf32, #tpu.memory_space<hbm>> -> memref<1003520xf32, #tpu.memory_space<hbm>>
    tpu.enqueue_indirect_dma source(%dma_start3A_109 : memref<1003520xf32, #tpu.memory_space<hbm>>) target(%dma_start3A_104 : memref<128xf32, #tpu.memory_space<vmem>>) offsets(%dma_start3A_107 : memref<128xi32, #tpu.memory_space<vmem>>) semaphore(%arg7 : memref<!tpu.dma_semaphore, #tpu.memory_space<semaphore_mem>>)
    %dma_start3A_110 = arith.constant 11 : i32
    %dma_start3A_111 = arith.constant 11 : i32
    %dma_start3A_112 = arith.constant 0 : i32
    %dma_start3A_113 = tpu.memref_slice %arg6[%dma_start3A_111, %dma_start3A_112] : memref<13x128xf32, #tpu.memory_space<vmem>> -> memref<1x128xf32, #tpu.memory_space<vmem>>
    %dma_start3A_114 = tpu.memref_squeeze %dma_start3A_113 : memref<1x128xf32, #tpu.memory_space<vmem>> -> memref<128xf32, #tpu.memory_space<vmem>>
    %dma_start3A_115 = arith.constant 0 : i32
    %dma_start3A_116 = tpu.memref_slice %arg5[%dma_start3A_110, %dma_start3A_115] : memref<13x128xi32, #tpu.memory_space<vmem>> -> memref<1x128xi32, #tpu.memory_space<vmem>>
    %dma_start3A_117 = tpu.memref_squeeze %dma_start3A_116 : memref<1x128xi32, #tpu.memory_space<vmem>> -> memref<128xi32, #tpu.memory_space<vmem>>
    %dma_start3A_118 = arith.constant 0 : i32
    %dma_start3A_119 = tpu.memref_slice %arg2[%dma_start3A_118] : memref<1003520xf32, #tpu.memory_space<hbm>> -> memref<1003520xf32, #tpu.memory_space<hbm>>
    tpu.enqueue_indirect_dma source(%dma_start3A_119 : memref<1003520xf32, #tpu.memory_space<hbm>>) target(%dma_start3A_114 : memref<128xf32, #tpu.memory_space<vmem>>) offsets(%dma_start3A_117 : memref<128xi32, #tpu.memory_space<vmem>>) semaphore(%arg7 : memref<!tpu.dma_semaphore, #tpu.memory_space<semaphore_mem>>)
    %dma_start3A_120 = arith.constant 12 : i32
    %dma_start3A_121 = arith.constant 12 : i32
    %dma_start3A_122 = arith.constant 0 : i32
    %dma_start3A_123 = tpu.memref_slice %arg6[%dma_start3A_121, %dma_start3A_122] : memref<13x128xf32, #tpu.memory_space<vmem>> -> memref<1x128xf32, #tpu.memory_space<vmem>>
    %dma_start3A_124 = tpu.memref_squeeze %dma_start3A_123 : memref<1x128xf32, #tpu.memory_space<vmem>> -> memref<128xf32, #tpu.memory_space<vmem>>
    %dma_start3A_125 = arith.constant 0 : i32
    %dma_start3A_126 = tpu.memref_slice %arg5[%dma_start3A_120, %dma_start3A_125] : memref<13x128xi32, #tpu.memory_space<vmem>> -> memref<1x128xi32, #tpu.memory_space<vmem>>
    %dma_start3A_127 = tpu.memref_squeeze %dma_start3A_126 : memref<1x128xi32, #tpu.memory_space<vmem>> -> memref<128xi32, #tpu.memory_space<vmem>>
    %dma_start3A_128 = arith.constant 0 : i32
    %dma_start3A_129 = tpu.memref_slice %arg2[%dma_start3A_128] : memref<1003520xf32, #tpu.memory_space<hbm>> -> memref<1003520xf32, #tpu.memory_space<hbm>>
    tpu.enqueue_indirect_dma source(%dma_start3A_129 : memref<1003520xf32, #tpu.memory_space<hbm>>) target(%dma_start3A_124 : memref<128xf32, #tpu.memory_space<vmem>>) offsets(%dma_start3A_127 : memref<128xi32, #tpu.memory_space<vmem>>) semaphore(%arg7 : memref<!tpu.dma_semaphore, #tpu.memory_space<semaphore_mem>>)
    %dma_wait3A = arith.constant 0 : i32
    %dma_wait3A_130 = arith.constant 0 : i32
    %dma_wait3A_131 = arith.constant 0 : i32
    %dma_wait3A_132 = tpu.memref_slice %arg6[%dma_wait3A_130, %dma_wait3A_131] : memref<13x128xf32, #tpu.memory_space<vmem>> -> memref<1x128xf32, #tpu.memory_space<vmem>>
    %dma_wait3A_133 = tpu.memref_squeeze %dma_wait3A_132 : memref<1x128xf32, #tpu.memory_space<vmem>> -> memref<128xf32, #tpu.memory_space<vmem>>
    %dma_wait3A_134 = arith.constant 0 : i32
    %dma_wait3A_135 = tpu.memref_slice %arg5[%dma_wait3A, %dma_wait3A_134] : memref<13x128xi32, #tpu.memory_space<vmem>> -> memref<1x128xi32, #tpu.memory_space<vmem>>
    %dma_wait3A_136 = tpu.memref_squeeze %dma_wait3A_135 : memref<1x128xi32, #tpu.memory_space<vmem>> -> memref<128xi32, #tpu.memory_space<vmem>>
    %dma_wait3A_137 = arith.constant 0 : i32
    %dma_wait3A_138 = tpu.memref_slice %arg2[%dma_wait3A_137] : memref<1003520xf32, #tpu.memory_space<hbm>> -> memref<1003520xf32, #tpu.memory_space<hbm>>
    tpu.wait_indirect_dma semaphore(%arg7 : memref<!tpu.dma_semaphore, #tpu.memory_space<semaphore_mem>>) src(%dma_wait3A_138 : memref<1003520xf32, #tpu.memory_space<hbm>>) dst(%dma_wait3A_133 : memref<128xf32, #tpu.memory_space<vmem>>)
    %dma_wait3A_139 = arith.constant 1 : i32
    %dma_wait3A_140 = arith.constant 1 : i32
    %dma_wait3A_141 = arith.constant 0 : i32
    %dma_wait3A_142 = tpu.memref_slice %arg6[%dma_wait3A_140, %dma_wait3A_141] : memref<13x128xf32, #tpu.memory_space<vmem>> -> memref<1x128xf32, #tpu.memory_space<vmem>>
    %dma_wait3A_143 = tpu.memref_squeeze %dma_wait3A_142 : memref<1x128xf32, #tpu.memory_space<vmem>> -> memref<128xf32, #tpu.memory_space<vmem>>
    %dma_wait3A_144 = arith.constant 0 : i32
    %dma_wait3A_145 = tpu.memref_slice %arg5[%dma_wait3A_139, %dma_wait3A_144] : memref<13x128xi32, #tpu.memory_space<vmem>> -> memref<1x128xi32, #tpu.memory_space<vmem>>
    %dma_wait3A_146 = tpu.memref_squeeze %dma_wait3A_145 : memref<1x128xi32, #tpu.memory_space<vmem>> -> memref<128xi32, #tpu.memory_space<vmem>>
    %dma_wait3A_147 = arith.constant 0 : i32
    %dma_wait3A_148 = tpu.memref_slice %arg2[%dma_wait3A_147] : memref<1003520xf32, #tpu.memory_space<hbm>> -> memref<1003520xf32, #tpu.memory_space<hbm>>
    tpu.wait_indirect_dma semaphore(%arg7 : memref<!tpu.dma_semaphore, #tpu.memory_space<semaphore_mem>>) src(%dma_wait3A_148 : memref<1003520xf32, #tpu.memory_space<hbm>>) dst(%dma_wait3A_143 : memref<128xf32, #tpu.memory_space<vmem>>)
    %dma_wait3A_149 = arith.constant 2 : i32
    %dma_wait3A_150 = arith.constant 2 : i32
    %dma_wait3A_151 = arith.constant 0 : i32
    %dma_wait3A_152 = tpu.memref_slice %arg6[%dma_wait3A_150, %dma_wait3A_151] : memref<13x128xf32, #tpu.memory_space<vmem>> -> memref<1x128xf32, #tpu.memory_space<vmem>>
    %dma_wait3A_153 = tpu.memref_squeeze %dma_wait3A_152 : memref<1x128xf32, #tpu.memory_space<vmem>> -> memref<128xf32, #tpu.memory_space<vmem>>
    %dma_wait3A_154 = arith.constant 0 : i32
    %dma_wait3A_155 = tpu.memref_slice %arg5[%dma_wait3A_149, %dma_wait3A_154] : memref<13x128xi32, #tpu.memory_space<vmem>> -> memref<1x128xi32, #tpu.memory_space<vmem>>
    %dma_wait3A_156 = tpu.memref_squeeze %dma_wait3A_155 : memref<1x128xi32, #tpu.memory_space<vmem>> -> memref<128xi32, #tpu.memory_space<vmem>>
    %dma_wait3A_157 = arith.constant 0 : i32
    %dma_wait3A_158 = tpu.memref_slice %arg2[%dma_wait3A_157] : memref<1003520xf32, #tpu.memory_space<hbm>> -> memref<1003520xf32, #tpu.memory_space<hbm>>
    tpu.wait_indirect_dma semaphore(%arg7 : memref<!tpu.dma_semaphore, #tpu.memory_space<semaphore_mem>>) src(%dma_wait3A_158 : memref<1003520xf32, #tpu.memory_space<hbm>>) dst(%dma_wait3A_153 : memref<128xf32, #tpu.memory_space<vmem>>)
    %dma_wait3A_159 = arith.constant 3 : i32
    %dma_wait3A_160 = arith.constant 3 : i32
    %dma_wait3A_161 = arith.constant 0 : i32
    %dma_wait3A_162 = tpu.memref_slice %arg6[%dma_wait3A_160, %dma_wait3A_161] : memref<13x128xf32, #tpu.memory_space<vmem>> -> memref<1x128xf32, #tpu.memory_space<vmem>>
    %dma_wait3A_163 = tpu.memref_squeeze %dma_wait3A_162 : memref<1x128xf32, #tpu.memory_space<vmem>> -> memref<128xf32, #tpu.memory_space<vmem>>
    %dma_wait3A_164 = arith.constant 0 : i32
    %dma_wait3A_165 = tpu.memref_slice %arg5[%dma_wait3A_159, %dma_wait3A_164] : memref<13x128xi32, #tpu.memory_space<vmem>> -> memref<1x128xi32, #tpu.memory_space<vmem>>
    %dma_wait3A_166 = tpu.memref_squeeze %dma_wait3A_165 : memref<1x128xi32, #tpu.memory_space<vmem>> -> memref<128xi32, #tpu.memory_space<vmem>>
    %dma_wait3A_167 = arith.constant 0 : i32
    %dma_wait3A_168 = tpu.memref_slice %arg2[%dma_wait3A_167] : memref<1003520xf32, #tpu.memory_space<hbm>> -> memref<1003520xf32, #tpu.memory_space<hbm>>
    tpu.wait_indirect_dma semaphore(%arg7 : memref<!tpu.dma_semaphore, #tpu.memory_space<semaphore_mem>>) src(%dma_wait3A_168 : memref<1003520xf32, #tpu.memory_space<hbm>>) dst(%dma_wait3A_163 : memref<128xf32, #tpu.memory_space<vmem>>)
    %dma_wait3A_169 = arith.constant 4 : i32
    %dma_wait3A_170 = arith.constant 4 : i32
    %dma_wait3A_171 = arith.constant 0 : i32
    %dma_wait3A_172 = tpu.memref_slice %arg6[%dma_wait3A_170, %dma_wait3A_171] : memref<13x128xf32, #tpu.memory_space<vmem>> -> memref<1x128xf32, #tpu.memory_space<vmem>>
    %dma_wait3A_173 = tpu.memref_squeeze %dma_wait3A_172 : memref<1x128xf32, #tpu.memory_space<vmem>> -> memref<128xf32, #tpu.memory_space<vmem>>
    %dma_wait3A_174 = arith.constant 0 : i32
    %dma_wait3A_175 = tpu.memref_slice %arg5[%dma_wait3A_169, %dma_wait3A_174] : memref<13x128xi32, #tpu.memory_space<vmem>> -> memref<1x128xi32, #tpu.memory_space<vmem>>
    %dma_wait3A_176 = tpu.memref_squeeze %dma_wait3A_175 : memref<1x128xi32, #tpu.memory_space<vmem>> -> memref<128xi32, #tpu.memory_space<vmem>>
    %dma_wait3A_177 = arith.constant 0 : i32
    %dma_wait3A_178 = tpu.memref_slice %arg2[%dma_wait3A_177] : memref<1003520xf32, #tpu.memory_space<hbm>> -> memref<1003520xf32, #tpu.memory_space<hbm>>
    tpu.wait_indirect_dma semaphore(%arg7 : memref<!tpu.dma_semaphore, #tpu.memory_space<semaphore_mem>>) src(%dma_wait3A_178 : memref<1003520xf32, #tpu.memory_space<hbm>>) dst(%dma_wait3A_173 : memref<128xf32, #tpu.memory_space<vmem>>)
    %dma_wait3A_179 = arith.constant 5 : i32
    %dma_wait3A_180 = arith.constant 5 : i32
    %dma_wait3A_181 = arith.constant 0 : i32
    %dma_wait3A_182 = tpu.memref_slice %arg6[%dma_wait3A_180, %dma_wait3A_181] : memref<13x128xf32, #tpu.memory_space<vmem>> -> memref<1x128xf32, #tpu.memory_space<vmem>>
    %dma_wait3A_183 = tpu.memref_squeeze %dma_wait3A_182 : memref<1x128xf32, #tpu.memory_space<vmem>> -> memref<128xf32, #tpu.memory_space<vmem>>
    %dma_wait3A_184 = arith.constant 0 : i32
    %dma_wait3A_185 = tpu.memref_slice %arg5[%dma_wait3A_179, %dma_wait3A_184] : memref<13x128xi32, #tpu.memory_space<vmem>> -> memref<1x128xi32, #tpu.memory_space<vmem>>
    %dma_wait3A_186 = tpu.memref_squeeze %dma_wait3A_185 : memref<1x128xi32, #tpu.memory_space<vmem>> -> memref<128xi32, #tpu.memory_space<vmem>>
    %dma_wait3A_187 = arith.constant 0 : i32
    %dma_wait3A_188 = tpu.memref_slice %arg2[%dma_wait3A_187] : memref<1003520xf32, #tpu.memory_space<hbm>> -> memref<1003520xf32, #tpu.memory_space<hbm>>
    tpu.wait_indirect_dma semaphore(%arg7 : memref<!tpu.dma_semaphore, #tpu.memory_space<semaphore_mem>>) src(%dma_wait3A_188 : memref<1003520xf32, #tpu.memory_space<hbm>>) dst(%dma_wait3A_183 : memref<128xf32, #tpu.memory_space<vmem>>)
    %dma_wait3A_189 = arith.constant 6 : i32
    %dma_wait3A_190 = arith.constant 6 : i32
    %dma_wait3A_191 = arith.constant 0 : i32
    %dma_wait3A_192 = tpu.memref_slice %arg6[%dma_wait3A_190, %dma_wait3A_191] : memref<13x128xf32, #tpu.memory_space<vmem>> -> memref<1x128xf32, #tpu.memory_space<vmem>>
    %dma_wait3A_193 = tpu.memref_squeeze %dma_wait3A_192 : memref<1x128xf32, #tpu.memory_space<vmem>> -> memref<128xf32, #tpu.memory_space<vmem>>
    %dma_wait3A_194 = arith.constant 0 : i32
    %dma_wait3A_195 = tpu.memref_slice %arg5[%dma_wait3A_189, %dma_wait3A_194] : memref<13x128xi32, #tpu.memory_space<vmem>> -> memref<1x128xi32, #tpu.memory_space<vmem>>
    %dma_wait3A_196 = tpu.memref_squeeze %dma_wait3A_195 : memref<1x128xi32, #tpu.memory_space<vmem>> -> memref<128xi32, #tpu.memory_space<vmem>>
    %dma_wait3A_197 = arith.constant 0 : i32
    %dma_wait3A_198 = tpu.memref_slice %arg2[%dma_wait3A_197] : memref<1003520xf32, #tpu.memory_space<hbm>> -> memref<1003520xf32, #tpu.memory_space<hbm>>
    tpu.wait_indirect_dma semaphore(%arg7 : memref<!tpu.dma_semaphore, #tpu.memory_space<semaphore_mem>>) src(%dma_wait3A_198 : memref<1003520xf32, #tpu.memory_space<hbm>>) dst(%dma_wait3A_193 : memref<128xf32, #tpu.memory_space<vmem>>)
    %dma_wait3A_199 = arith.constant 7 : i32
    %dma_wait3A_200 = arith.constant 7 : i32
    %dma_wait3A_201 = arith.constant 0 : i32
    %dma_wait3A_202 = tpu.memref_slice %arg6[%dma_wait3A_200, %dma_wait3A_201] : memref<13x128xf32, #tpu.memory_space<vmem>> -> memref<1x128xf32, #tpu.memory_space<vmem>>
    %dma_wait3A_203 = tpu.memref_squeeze %dma_wait3A_202 : memref<1x128xf32, #tpu.memory_space<vmem>> -> memref<128xf32, #tpu.memory_space<vmem>>
    %dma_wait3A_204 = arith.constant 0 : i32
    %dma_wait3A_205 = tpu.memref_slice %arg5[%dma_wait3A_199, %dma_wait3A_204] : memref<13x128xi32, #tpu.memory_space<vmem>> -> memref<1x128xi32, #tpu.memory_space<vmem>>
    %dma_wait3A_206 = tpu.memref_squeeze %dma_wait3A_205 : memref<1x128xi32, #tpu.memory_space<vmem>> -> memref<128xi32, #tpu.memory_space<vmem>>
    %dma_wait3A_207 = arith.constant 0 : i32
    %dma_wait3A_208 = tpu.memref_slice %arg2[%dma_wait3A_207] : memref<1003520xf32, #tpu.memory_space<hbm>> -> memref<1003520xf32, #tpu.memory_space<hbm>>
    tpu.wait_indirect_dma semaphore(%arg7 : memref<!tpu.dma_semaphore, #tpu.memory_space<semaphore_mem>>) src(%dma_wait3A_208 : memref<1003520xf32, #tpu.memory_space<hbm>>) dst(%dma_wait3A_203 : memref<128xf32, #tpu.memory_space<vmem>>)
    %dma_wait3A_209 = arith.constant 8 : i32
    %dma_wait3A_210 = arith.constant 8 : i32
    %dma_wait3A_211 = arith.constant 0 : i32
    %dma_wait3A_212 = tpu.memref_slice %arg6[%dma_wait3A_210, %dma_wait3A_211] : memref<13x128xf32, #tpu.memory_space<vmem>> -> memref<1x128xf32, #tpu.memory_space<vmem>>
    %dma_wait3A_213 = tpu.memref_squeeze %dma_wait3A_212 : memref<1x128xf32, #tpu.memory_space<vmem>> -> memref<128xf32, #tpu.memory_space<vmem>>
    %dma_wait3A_214 = arith.constant 0 : i32
    %dma_wait3A_215 = tpu.memref_slice %arg5[%dma_wait3A_209, %dma_wait3A_214] : memref<13x128xi32, #tpu.memory_space<vmem>> -> memref<1x128xi32, #tpu.memory_space<vmem>>
    %dma_wait3A_216 = tpu.memref_squeeze %dma_wait3A_215 : memref<1x128xi32, #tpu.memory_space<vmem>> -> memref<128xi32, #tpu.memory_space<vmem>>
    %dma_wait3A_217 = arith.constant 0 : i32
    %dma_wait3A_218 = tpu.memref_slice %arg2[%dma_wait3A_217] : memref<1003520xf32, #tpu.memory_space<hbm>> -> memref<1003520xf32, #tpu.memory_space<hbm>>
    tpu.wait_indirect_dma semaphore(%arg7 : memref<!tpu.dma_semaphore, #tpu.memory_space<semaphore_mem>>) src(%dma_wait3A_218 : memref<1003520xf32, #tpu.memory_space<hbm>>) dst(%dma_wait3A_213 : memref<128xf32, #tpu.memory_space<vmem>>)
    %dma_wait3A_219 = arith.constant 9 : i32
    %dma_wait3A_220 = arith.constant 9 : i32
    %dma_wait3A_221 = arith.constant 0 : i32
    %dma_wait3A_222 = tpu.memref_slice %arg6[%dma_wait3A_220, %dma_wait3A_221] : memref<13x128xf32, #tpu.memory_space<vmem>> -> memref<1x128xf32, #tpu.memory_space<vmem>>
    %dma_wait3A_223 = tpu.memref_squeeze %dma_wait3A_222 : memref<1x128xf32, #tpu.memory_space<vmem>> -> memref<128xf32, #tpu.memory_space<vmem>>
    %dma_wait3A_224 = arith.constant 0 : i32
    %dma_wait3A_225 = tpu.memref_slice %arg5[%dma_wait3A_219, %dma_wait3A_224] : memref<13x128xi32, #tpu.memory_space<vmem>> -> memref<1x128xi32, #tpu.memory_space<vmem>>
    %dma_wait3A_226 = tpu.memref_squeeze %dma_wait3A_225 : memref<1x128xi32, #tpu.memory_space<vmem>> -> memref<128xi32, #tpu.memory_space<vmem>>
    %dma_wait3A_227 = arith.constant 0 : i32
    %dma_wait3A_228 = tpu.memref_slice %arg2[%dma_wait3A_227] : memref<1003520xf32, #tpu.memory_space<hbm>> -> memref<1003520xf32, #tpu.memory_space<hbm>>
    tpu.wait_indirect_dma semaphore(%arg7 : memref<!tpu.dma_semaphore, #tpu.memory_space<semaphore_mem>>) src(%dma_wait3A_228 : memref<1003520xf32, #tpu.memory_space<hbm>>) dst(%dma_wait3A_223 : memref<128xf32, #tpu.memory_space<vmem>>)
    %dma_wait3A_229 = arith.constant 10 : i32
    %dma_wait3A_230 = arith.constant 10 : i32
    %dma_wait3A_231 = arith.constant 0 : i32
    %dma_wait3A_232 = tpu.memref_slice %arg6[%dma_wait3A_230, %dma_wait3A_231] : memref<13x128xf32, #tpu.memory_space<vmem>> -> memref<1x128xf32, #tpu.memory_space<vmem>>
    %dma_wait3A_233 = tpu.memref_squeeze %dma_wait3A_232 : memref<1x128xf32, #tpu.memory_space<vmem>> -> memref<128xf32, #tpu.memory_space<vmem>>
    %dma_wait3A_234 = arith.constant 0 : i32
    %dma_wait3A_235 = tpu.memref_slice %arg5[%dma_wait3A_229, %dma_wait3A_234] : memref<13x128xi32, #tpu.memory_space<vmem>> -> memref<1x128xi32, #tpu.memory_space<vmem>>
    %dma_wait3A_236 = tpu.memref_squeeze %dma_wait3A_235 : memref<1x128xi32, #tpu.memory_space<vmem>> -> memref<128xi32, #tpu.memory_space<vmem>>
    %dma_wait3A_237 = arith.constant 0 : i32
    %dma_wait3A_238 = tpu.memref_slice %arg2[%dma_wait3A_237] : memref<1003520xf32, #tpu.memory_space<hbm>> -> memref<1003520xf32, #tpu.memory_space<hbm>>
    tpu.wait_indirect_dma semaphore(%arg7 : memref<!tpu.dma_semaphore, #tpu.memory_space<semaphore_mem>>) src(%dma_wait3A_238 : memref<1003520xf32, #tpu.memory_space<hbm>>) dst(%dma_wait3A_233 : memref<128xf32, #tpu.memory_space<vmem>>)
    %dma_wait3A_239 = arith.constant 11 : i32
    %dma_wait3A_240 = arith.constant 11 : i32
    %dma_wait3A_241 = arith.constant 0 : i32
    %dma_wait3A_242 = tpu.memref_slice %arg6[%dma_wait3A_240, %dma_wait3A_241] : memref<13x128xf32, #tpu.memory_space<vmem>> -> memref<1x128xf32, #tpu.memory_space<vmem>>
    %dma_wait3A_243 = tpu.memref_squeeze %dma_wait3A_242 : memref<1x128xf32, #tpu.memory_space<vmem>> -> memref<128xf32, #tpu.memory_space<vmem>>
    %dma_wait3A_244 = arith.constant 0 : i32
    %dma_wait3A_245 = tpu.memref_slice %arg5[%dma_wait3A_239, %dma_wait3A_244] : memref<13x128xi32, #tpu.memory_space<vmem>> -> memref<1x128xi32, #tpu.memory_space<vmem>>
    %dma_wait3A_246 = tpu.memref_squeeze %dma_wait3A_245 : memref<1x128xi32, #tpu.memory_space<vmem>> -> memref<128xi32, #tpu.memory_space<vmem>>
    %dma_wait3A_247 = arith.constant 0 : i32
    %dma_wait3A_248 = tpu.memref_slice %arg2[%dma_wait3A_247] : memref<1003520xf32, #tpu.memory_space<hbm>> -> memref<1003520xf32, #tpu.memory_space<hbm>>
    tpu.wait_indirect_dma semaphore(%arg7 : memref<!tpu.dma_semaphore, #tpu.memory_space<semaphore_mem>>) src(%dma_wait3A_248 : memref<1003520xf32, #tpu.memory_space<hbm>>) dst(%dma_wait3A_243 : memref<128xf32, #tpu.memory_space<vmem>>)
    %dma_wait3A_249 = arith.constant 12 : i32
    %dma_wait3A_250 = arith.constant 12 : i32
    %dma_wait3A_251 = arith.constant 0 : i32
    %dma_wait3A_252 = tpu.memref_slice %arg6[%dma_wait3A_250, %dma_wait3A_251] : memref<13x128xf32, #tpu.memory_space<vmem>> -> memref<1x128xf32, #tpu.memory_space<vmem>>
    %dma_wait3A_253 = tpu.memref_squeeze %dma_wait3A_252 : memref<1x128xf32, #tpu.memory_space<vmem>> -> memref<128xf32, #tpu.memory_space<vmem>>
    %dma_wait3A_254 = arith.constant 0 : i32
    %dma_wait3A_255 = tpu.memref_slice %arg5[%dma_wait3A_249, %dma_wait3A_254] : memref<13x128xi32, #tpu.memory_space<vmem>> -> memref<1x128xi32, #tpu.memory_space<vmem>>
    %dma_wait3A_256 = tpu.memref_squeeze %dma_wait3A_255 : memref<1x128xi32, #tpu.memory_space<vmem>> -> memref<128xi32, #tpu.memory_space<vmem>>
    %dma_wait3A_257 = arith.constant 0 : i32
    %dma_wait3A_258 = tpu.memref_slice %arg2[%dma_wait3A_257] : memref<1003520xf32, #tpu.memory_space<hbm>> -> memref<1003520xf32, #tpu.memory_space<hbm>>
    tpu.wait_indirect_dma semaphore(%arg7 : memref<!tpu.dma_semaphore, #tpu.memory_space<semaphore_mem>>) src(%dma_wait3A_258 : memref<1003520xf32, #tpu.memory_space<hbm>>) dst(%dma_wait3A_253 : memref<128xf32, #tpu.memory_space<vmem>>)
    "tpu.region"() ({
      %run_scoped3A = tpu.sem_alloc : memref<!tpu.dma_semaphore, #tpu.memory_space<semaphore_mem>>
      %dma_start3A_259 = arith.constant 0 : i32
      %dma_start3A_260 = arith.constant 0 : i32
      %dma_start3A_261 = tpu.memref_slice %arg4[%add3A, %dma_start3A_259, %dma_start3A_260] : memref<32x13x128xf32, #tpu.memory_space<hbm>> -> memref<1x13x128xf32, #tpu.memory_space<hbm>>
      %dma_start3A_262 = tpu.memref_squeeze %dma_start3A_261 : memref<1x13x128xf32, #tpu.memory_space<hbm>> -> memref<13x128xf32, #tpu.memory_space<hbm>>
      %dma_start3A_263 = arith.constant 0 : i32
      %dma_start3A_264 = arith.constant 0 : i32
      %dma_start3A_265 = tpu.memref_slice %arg4[%add3A, %dma_start3A_263, %dma_start3A_264] : memref<32x13x128xf32, #tpu.memory_space<hbm>> -> memref<1x13x128xf32, #tpu.memory_space<hbm>>
      %dma_start3A_266 = tpu.memref_squeeze %dma_start3A_265 : memref<1x13x128xf32, #tpu.memory_space<hbm>> -> memref<13x128xf32, #tpu.memory_space<hbm>>
      tpu.enqueue_dma source(%arg6 : memref<13x128xf32, #tpu.memory_space<vmem>>) target(%dma_start3A_266 : memref<13x128xf32, #tpu.memory_space<hbm>>) target_semaphore(%run_scoped3A : memref<!tpu.dma_semaphore, #tpu.memory_space<semaphore_mem>>)
      %dma_wait3A_267 = arith.constant 0 : i32
      %dma_wait3A_268 = arith.constant 0 : i32
      %dma_wait3A_269 = tpu.memref_slice %arg4[%add3A, %dma_wait3A_267, %dma_wait3A_268] : memref<32x13x128xf32, #tpu.memory_space<hbm>> -> memref<1x13x128xf32, #tpu.memory_space<hbm>>
      %dma_wait3A_270 = tpu.memref_squeeze %dma_wait3A_269 : memref<1x13x128xf32, #tpu.memory_space<hbm>> -> memref<13x128xf32, #tpu.memory_space<hbm>>
      %dma_wait3A_271 = arith.constant 0 : i32
      %dma_wait3A_272 = arith.constant 0 : i32
      %dma_wait3A_273 = tpu.memref_slice %arg4[%add3A, %dma_wait3A_271, %dma_wait3A_272] : memref<32x13x128xf32, #tpu.memory_space<hbm>> -> memref<1x13x128xf32, #tpu.memory_space<hbm>>
      %dma_wait3A_274 = tpu.memref_squeeze %dma_wait3A_273 : memref<1x13x128xf32, #tpu.memory_space<hbm>> -> memref<13x128xf32, #tpu.memory_space<hbm>>
      tpu.wait_dma2 semaphore(%run_scoped3A : memref<!tpu.dma_semaphore, #tpu.memory_space<semaphore_mem>>) src(%arg6 : memref<13x128xf32, #tpu.memory_space<vmem>>) dst(%dma_wait3A_274 : memref<13x128xf32, #tpu.memory_space<hbm>>)
      tpu.yield
    }) : () -> ()
    return
  }
}

#map = affine_map<(d0, d1) -> (0)>
#map1 = affine_map<(d0, d1) -> (0, 0, 0)>
module attributes {stable_mosaic.version = 14 : i64} {
  func.func @sk(%arg0: i32, %arg1: i32, %arg2: memref<1003520xf32, #tpu.memory_space<hbm>>, %arg3: memref<32x13x128xi32, #tpu.memory_space<hbm>>, %arg4: memref<32x13x128xf32, #tpu.memory_space<hbm>>, %arg5: memref<1003520xf32, #tpu.memory_space<hbm>>, %arg6: memref<13x128xi32, #tpu.memory_space<vmem>>, %arg7: memref<13x128xf32, #tpu.memory_space<vmem>>, %arg8: memref<!tpu.dma_semaphore, #tpu.memory_space<semaphore_mem>>) attributes {dimension_semantics = [#tpu.dimension_semantics<core_parallel>, #tpu.dimension_semantics<subcore_parallel>], iteration_bounds = array<i64: 2, 16>, scalar_prefetch = 0 : i64, scratch_operands = 3 : i64, tpu.core_type = #tpu.core_type<sc_vector_subcore>, window_params = [{transform_indices = #map}, {transform_indices = #map1}, {transform_indices = #map1}, {transform_indices = #map}]} {
    %mul3A = arith.constant 2 : i32
    %mul3A_0 = arith.muli %arg1, %mul3A : i32
    %add3A = arith.addi %mul3A_0, %arg0 : i32
    "tpu.region"() ({
      %run_scoped3A = tpu.sem_alloc : memref<!tpu.dma_semaphore, #tpu.memory_space<semaphore_mem>>
      %dma_start3A_259 = arith.constant 0 : i32
      %dma_start3A_260 = arith.constant 0 : i32
      %dma_start3A_261 = tpu.memref_slice %arg3[%add3A, %dma_start3A_259, %dma_start3A_260] : memref<32x13x128xi32, #tpu.memory_space<hbm>> -> memref<1x13x128xi32, #tpu.memory_space<hbm>>
      %dma_start3A_262 = tpu.memref_squeeze %dma_start3A_261 : memref<1x13x128xi32, #tpu.memory_space<hbm>> -> memref<13x128xi32, #tpu.memory_space<hbm>>
      %dma_start3A_263 = arith.constant 0 : i32
      %dma_start3A_264 = arith.constant 0 : i32
      %dma_start3A_265 = tpu.memref_slice %arg3[%add3A, %dma_start3A_263, %dma_start3A_264] : memref<32x13x128xi32, #tpu.memory_space<hbm>> -> memref<1x13x128xi32, #tpu.memory_space<hbm>>
      %dma_start3A_266 = tpu.memref_squeeze %dma_start3A_265 : memref<1x13x128xi32, #tpu.memory_space<hbm>> -> memref<13x128xi32, #tpu.memory_space<hbm>>
      tpu.enqueue_dma source(%dma_start3A_266 : memref<13x128xi32, #tpu.memory_space<hbm>>) target(%arg6 : memref<13x128xi32, #tpu.memory_space<vmem>>) target_semaphore(%run_scoped3A : memref<!tpu.dma_semaphore, #tpu.memory_space<semaphore_mem>>)
      %dma_wait3A_267 = arith.constant 0 : i32
      %dma_wait3A_268 = arith.constant 0 : i32
      %dma_wait3A_269 = tpu.memref_slice %arg3[%add3A, %dma_wait3A_267, %dma_wait3A_268] : memref<32x13x128xi32, #tpu.memory_space<hbm>> -> memref<1x13x128xi32, #tpu.memory_space<hbm>>
      %dma_wait3A_270 = tpu.memref_squeeze %dma_wait3A_269 : memref<1x13x128xi32, #tpu.memory_space<hbm>> -> memref<13x128xi32, #tpu.memory_space<hbm>>
      %dma_wait3A_271 = arith.constant 0 : i32
      %dma_wait3A_272 = arith.constant 0 : i32
      %dma_wait3A_273 = tpu.memref_slice %arg3[%add3A, %dma_wait3A_271, %dma_wait3A_272] : memref<32x13x128xi32, #tpu.memory_space<hbm>> -> memref<1x13x128xi32, #tpu.memory_space<hbm>>
      %dma_wait3A_274 = tpu.memref_squeeze %dma_wait3A_273 : memref<1x13x128xi32, #tpu.memory_space<hbm>> -> memref<13x128xi32, #tpu.memory_space<hbm>>
      tpu.wait_dma2 semaphore(%run_scoped3A : memref<!tpu.dma_semaphore, #tpu.memory_space<semaphore_mem>>) src(%dma_wait3A_274 : memref<13x128xi32, #tpu.memory_space<hbm>>) dst(%arg6 : memref<13x128xi32, #tpu.memory_space<vmem>>)
      tpu.yield
    }) : () -> ()
    "tpu.region"() ({
      %run_scoped3A = tpu.sem_alloc : memref<!tpu.dma_semaphore, #tpu.memory_space<semaphore_mem>>
      %dma_start3A_259 = arith.constant 0 : i32
      %dma_start3A_260 = arith.constant 0 : i32
      %dma_start3A_261 = tpu.memref_slice %arg4[%add3A, %dma_start3A_259, %dma_start3A_260] : memref<32x13x128xf32, #tpu.memory_space<hbm>> -> memref<1x13x128xf32, #tpu.memory_space<hbm>>
      %dma_start3A_262 = tpu.memref_squeeze %dma_start3A_261 : memref<1x13x128xf32, #tpu.memory_space<hbm>> -> memref<13x128xf32, #tpu.memory_space<hbm>>
      %dma_start3A_263 = arith.constant 0 : i32
      %dma_start3A_264 = arith.constant 0 : i32
      %dma_start3A_265 = tpu.memref_slice %arg4[%add3A, %dma_start3A_263, %dma_start3A_264] : memref<32x13x128xf32, #tpu.memory_space<hbm>> -> memref<1x13x128xf32, #tpu.memory_space<hbm>>
      %dma_start3A_266 = tpu.memref_squeeze %dma_start3A_265 : memref<1x13x128xf32, #tpu.memory_space<hbm>> -> memref<13x128xf32, #tpu.memory_space<hbm>>
      tpu.enqueue_dma source(%dma_start3A_266 : memref<13x128xf32, #tpu.memory_space<hbm>>) target(%arg7 : memref<13x128xf32, #tpu.memory_space<vmem>>) target_semaphore(%run_scoped3A : memref<!tpu.dma_semaphore, #tpu.memory_space<semaphore_mem>>)
      %dma_wait3A_267 = arith.constant 0 : i32
      %dma_wait3A_268 = arith.constant 0 : i32
      %dma_wait3A_269 = tpu.memref_slice %arg4[%add3A, %dma_wait3A_267, %dma_wait3A_268] : memref<32x13x128xf32, #tpu.memory_space<hbm>> -> memref<1x13x128xf32, #tpu.memory_space<hbm>>
      %dma_wait3A_270 = tpu.memref_squeeze %dma_wait3A_269 : memref<1x13x128xf32, #tpu.memory_space<hbm>> -> memref<13x128xf32, #tpu.memory_space<hbm>>
      %dma_wait3A_271 = arith.constant 0 : i32
      %dma_wait3A_272 = arith.constant 0 : i32
      %dma_wait3A_273 = tpu.memref_slice %arg4[%add3A, %dma_wait3A_271, %dma_wait3A_272] : memref<32x13x128xf32, #tpu.memory_space<hbm>> -> memref<1x13x128xf32, #tpu.memory_space<hbm>>
      %dma_wait3A_274 = tpu.memref_squeeze %dma_wait3A_273 : memref<1x13x128xf32, #tpu.memory_space<hbm>> -> memref<13x128xf32, #tpu.memory_space<hbm>>
      tpu.wait_dma2 semaphore(%run_scoped3A : memref<!tpu.dma_semaphore, #tpu.memory_space<semaphore_mem>>) src(%dma_wait3A_274 : memref<13x128xf32, #tpu.memory_space<hbm>>) dst(%arg7 : memref<13x128xf32, #tpu.memory_space<vmem>>)
      tpu.yield
    }) : () -> ()
    %dma_start3A = arith.constant 0 : i32
    %dma_start3A_1 = arith.constant 0 : i32
    %dma_start3A_2 = arith.constant 0 : i32
    %dma_start3A_3 = tpu.memref_slice %arg7[%dma_start3A, %dma_start3A_2] : memref<13x128xf32, #tpu.memory_space<vmem>> -> memref<1x128xf32, #tpu.memory_space<vmem>>
    %dma_start3A_4 = tpu.memref_squeeze %dma_start3A_3 : memref<1x128xf32, #tpu.memory_space<vmem>> -> memref<128xf32, #tpu.memory_space<vmem>>
    %dma_start3A_5 = arith.constant 0 : i32
    %dma_start3A_6 = tpu.memref_slice %arg6[%dma_start3A_1, %dma_start3A_5] : memref<13x128xi32, #tpu.memory_space<vmem>> -> memref<1x128xi32, #tpu.memory_space<vmem>>
    %dma_start3A_7 = tpu.memref_squeeze %dma_start3A_6 : memref<1x128xi32, #tpu.memory_space<vmem>> -> memref<128xi32, #tpu.memory_space<vmem>>
    %dma_start3A_8 = arith.constant 0 : i32
    %dma_start3A_9 = tpu.memref_slice %arg5[%dma_start3A_8] : memref<1003520xf32, #tpu.memory_space<hbm>> -> memref<1003520xf32, #tpu.memory_space<hbm>>
    tpu.enqueue_indirect_dma source(%dma_start3A_4 : memref<128xf32, #tpu.memory_space<vmem>>) target(%dma_start3A_9 : memref<1003520xf32, #tpu.memory_space<hbm>>) offsets(%dma_start3A_7 : memref<128xi32, #tpu.memory_space<vmem>>) semaphore(%arg8 : memref<!tpu.dma_semaphore, #tpu.memory_space<semaphore_mem>>)
    %dma_start3A_10 = arith.constant 1 : i32
    %dma_start3A_11 = arith.constant 1 : i32
    %dma_start3A_12 = arith.constant 0 : i32
    %dma_start3A_13 = tpu.memref_slice %arg7[%dma_start3A_10, %dma_start3A_12] : memref<13x128xf32, #tpu.memory_space<vmem>> -> memref<1x128xf32, #tpu.memory_space<vmem>>
    %dma_start3A_14 = tpu.memref_squeeze %dma_start3A_13 : memref<1x128xf32, #tpu.memory_space<vmem>> -> memref<128xf32, #tpu.memory_space<vmem>>
    %dma_start3A_15 = arith.constant 0 : i32
    %dma_start3A_16 = tpu.memref_slice %arg6[%dma_start3A_11, %dma_start3A_15] : memref<13x128xi32, #tpu.memory_space<vmem>> -> memref<1x128xi32, #tpu.memory_space<vmem>>
    %dma_start3A_17 = tpu.memref_squeeze %dma_start3A_16 : memref<1x128xi32, #tpu.memory_space<vmem>> -> memref<128xi32, #tpu.memory_space<vmem>>
    %dma_start3A_18 = arith.constant 0 : i32
    %dma_start3A_19 = tpu.memref_slice %arg5[%dma_start3A_18] : memref<1003520xf32, #tpu.memory_space<hbm>> -> memref<1003520xf32, #tpu.memory_space<hbm>>
    tpu.enqueue_indirect_dma source(%dma_start3A_14 : memref<128xf32, #tpu.memory_space<vmem>>) target(%dma_start3A_19 : memref<1003520xf32, #tpu.memory_space<hbm>>) offsets(%dma_start3A_17 : memref<128xi32, #tpu.memory_space<vmem>>) semaphore(%arg8 : memref<!tpu.dma_semaphore, #tpu.memory_space<semaphore_mem>>)
    %dma_start3A_20 = arith.constant 2 : i32
    %dma_start3A_21 = arith.constant 2 : i32
    %dma_start3A_22 = arith.constant 0 : i32
    %dma_start3A_23 = tpu.memref_slice %arg7[%dma_start3A_20, %dma_start3A_22] : memref<13x128xf32, #tpu.memory_space<vmem>> -> memref<1x128xf32, #tpu.memory_space<vmem>>
    %dma_start3A_24 = tpu.memref_squeeze %dma_start3A_23 : memref<1x128xf32, #tpu.memory_space<vmem>> -> memref<128xf32, #tpu.memory_space<vmem>>
    %dma_start3A_25 = arith.constant 0 : i32
    %dma_start3A_26 = tpu.memref_slice %arg6[%dma_start3A_21, %dma_start3A_25] : memref<13x128xi32, #tpu.memory_space<vmem>> -> memref<1x128xi32, #tpu.memory_space<vmem>>
    %dma_start3A_27 = tpu.memref_squeeze %dma_start3A_26 : memref<1x128xi32, #tpu.memory_space<vmem>> -> memref<128xi32, #tpu.memory_space<vmem>>
    %dma_start3A_28 = arith.constant 0 : i32
    %dma_start3A_29 = tpu.memref_slice %arg5[%dma_start3A_28] : memref<1003520xf32, #tpu.memory_space<hbm>> -> memref<1003520xf32, #tpu.memory_space<hbm>>
    tpu.enqueue_indirect_dma source(%dma_start3A_24 : memref<128xf32, #tpu.memory_space<vmem>>) target(%dma_start3A_29 : memref<1003520xf32, #tpu.memory_space<hbm>>) offsets(%dma_start3A_27 : memref<128xi32, #tpu.memory_space<vmem>>) semaphore(%arg8 : memref<!tpu.dma_semaphore, #tpu.memory_space<semaphore_mem>>)
    %dma_start3A_30 = arith.constant 3 : i32
    %dma_start3A_31 = arith.constant 3 : i32
    %dma_start3A_32 = arith.constant 0 : i32
    %dma_start3A_33 = tpu.memref_slice %arg7[%dma_start3A_30, %dma_start3A_32] : memref<13x128xf32, #tpu.memory_space<vmem>> -> memref<1x128xf32, #tpu.memory_space<vmem>>
    %dma_start3A_34 = tpu.memref_squeeze %dma_start3A_33 : memref<1x128xf32, #tpu.memory_space<vmem>> -> memref<128xf32, #tpu.memory_space<vmem>>
    %dma_start3A_35 = arith.constant 0 : i32
    %dma_start3A_36 = tpu.memref_slice %arg6[%dma_start3A_31, %dma_start3A_35] : memref<13x128xi32, #tpu.memory_space<vmem>> -> memref<1x128xi32, #tpu.memory_space<vmem>>
    %dma_start3A_37 = tpu.memref_squeeze %dma_start3A_36 : memref<1x128xi32, #tpu.memory_space<vmem>> -> memref<128xi32, #tpu.memory_space<vmem>>
    %dma_start3A_38 = arith.constant 0 : i32
    %dma_start3A_39 = tpu.memref_slice %arg5[%dma_start3A_38] : memref<1003520xf32, #tpu.memory_space<hbm>> -> memref<1003520xf32, #tpu.memory_space<hbm>>
    tpu.enqueue_indirect_dma source(%dma_start3A_34 : memref<128xf32, #tpu.memory_space<vmem>>) target(%dma_start3A_39 : memref<1003520xf32, #tpu.memory_space<hbm>>) offsets(%dma_start3A_37 : memref<128xi32, #tpu.memory_space<vmem>>) semaphore(%arg8 : memref<!tpu.dma_semaphore, #tpu.memory_space<semaphore_mem>>)
    %dma_start3A_40 = arith.constant 4 : i32
    %dma_start3A_41 = arith.constant 4 : i32
    %dma_start3A_42 = arith.constant 0 : i32
    %dma_start3A_43 = tpu.memref_slice %arg7[%dma_start3A_40, %dma_start3A_42] : memref<13x128xf32, #tpu.memory_space<vmem>> -> memref<1x128xf32, #tpu.memory_space<vmem>>
    %dma_start3A_44 = tpu.memref_squeeze %dma_start3A_43 : memref<1x128xf32, #tpu.memory_space<vmem>> -> memref<128xf32, #tpu.memory_space<vmem>>
    %dma_start3A_45 = arith.constant 0 : i32
    %dma_start3A_46 = tpu.memref_slice %arg6[%dma_start3A_41, %dma_start3A_45] : memref<13x128xi32, #tpu.memory_space<vmem>> -> memref<1x128xi32, #tpu.memory_space<vmem>>
    %dma_start3A_47 = tpu.memref_squeeze %dma_start3A_46 : memref<1x128xi32, #tpu.memory_space<vmem>> -> memref<128xi32, #tpu.memory_space<vmem>>
    %dma_start3A_48 = arith.constant 0 : i32
    %dma_start3A_49 = tpu.memref_slice %arg5[%dma_start3A_48] : memref<1003520xf32, #tpu.memory_space<hbm>> -> memref<1003520xf32, #tpu.memory_space<hbm>>
    tpu.enqueue_indirect_dma source(%dma_start3A_44 : memref<128xf32, #tpu.memory_space<vmem>>) target(%dma_start3A_49 : memref<1003520xf32, #tpu.memory_space<hbm>>) offsets(%dma_start3A_47 : memref<128xi32, #tpu.memory_space<vmem>>) semaphore(%arg8 : memref<!tpu.dma_semaphore, #tpu.memory_space<semaphore_mem>>)
    %dma_start3A_50 = arith.constant 5 : i32
    %dma_start3A_51 = arith.constant 5 : i32
    %dma_start3A_52 = arith.constant 0 : i32
    %dma_start3A_53 = tpu.memref_slice %arg7[%dma_start3A_50, %dma_start3A_52] : memref<13x128xf32, #tpu.memory_space<vmem>> -> memref<1x128xf32, #tpu.memory_space<vmem>>
    %dma_start3A_54 = tpu.memref_squeeze %dma_start3A_53 : memref<1x128xf32, #tpu.memory_space<vmem>> -> memref<128xf32, #tpu.memory_space<vmem>>
    %dma_start3A_55 = arith.constant 0 : i32
    %dma_start3A_56 = tpu.memref_slice %arg6[%dma_start3A_51, %dma_start3A_55] : memref<13x128xi32, #tpu.memory_space<vmem>> -> memref<1x128xi32, #tpu.memory_space<vmem>>
    %dma_start3A_57 = tpu.memref_squeeze %dma_start3A_56 : memref<1x128xi32, #tpu.memory_space<vmem>> -> memref<128xi32, #tpu.memory_space<vmem>>
    %dma_start3A_58 = arith.constant 0 : i32
    %dma_start3A_59 = tpu.memref_slice %arg5[%dma_start3A_58] : memref<1003520xf32, #tpu.memory_space<hbm>> -> memref<1003520xf32, #tpu.memory_space<hbm>>
    tpu.enqueue_indirect_dma source(%dma_start3A_54 : memref<128xf32, #tpu.memory_space<vmem>>) target(%dma_start3A_59 : memref<1003520xf32, #tpu.memory_space<hbm>>) offsets(%dma_start3A_57 : memref<128xi32, #tpu.memory_space<vmem>>) semaphore(%arg8 : memref<!tpu.dma_semaphore, #tpu.memory_space<semaphore_mem>>)
    %dma_start3A_60 = arith.constant 6 : i32
    %dma_start3A_61 = arith.constant 6 : i32
    %dma_start3A_62 = arith.constant 0 : i32
    %dma_start3A_63 = tpu.memref_slice %arg7[%dma_start3A_60, %dma_start3A_62] : memref<13x128xf32, #tpu.memory_space<vmem>> -> memref<1x128xf32, #tpu.memory_space<vmem>>
    %dma_start3A_64 = tpu.memref_squeeze %dma_start3A_63 : memref<1x128xf32, #tpu.memory_space<vmem>> -> memref<128xf32, #tpu.memory_space<vmem>>
    %dma_start3A_65 = arith.constant 0 : i32
    %dma_start3A_66 = tpu.memref_slice %arg6[%dma_start3A_61, %dma_start3A_65] : memref<13x128xi32, #tpu.memory_space<vmem>> -> memref<1x128xi32, #tpu.memory_space<vmem>>
    %dma_start3A_67 = tpu.memref_squeeze %dma_start3A_66 : memref<1x128xi32, #tpu.memory_space<vmem>> -> memref<128xi32, #tpu.memory_space<vmem>>
    %dma_start3A_68 = arith.constant 0 : i32
    %dma_start3A_69 = tpu.memref_slice %arg5[%dma_start3A_68] : memref<1003520xf32, #tpu.memory_space<hbm>> -> memref<1003520xf32, #tpu.memory_space<hbm>>
    tpu.enqueue_indirect_dma source(%dma_start3A_64 : memref<128xf32, #tpu.memory_space<vmem>>) target(%dma_start3A_69 : memref<1003520xf32, #tpu.memory_space<hbm>>) offsets(%dma_start3A_67 : memref<128xi32, #tpu.memory_space<vmem>>) semaphore(%arg8 : memref<!tpu.dma_semaphore, #tpu.memory_space<semaphore_mem>>)
    %dma_start3A_70 = arith.constant 7 : i32
    %dma_start3A_71 = arith.constant 7 : i32
    %dma_start3A_72 = arith.constant 0 : i32
    %dma_start3A_73 = tpu.memref_slice %arg7[%dma_start3A_70, %dma_start3A_72] : memref<13x128xf32, #tpu.memory_space<vmem>> -> memref<1x128xf32, #tpu.memory_space<vmem>>
    %dma_start3A_74 = tpu.memref_squeeze %dma_start3A_73 : memref<1x128xf32, #tpu.memory_space<vmem>> -> memref<128xf32, #tpu.memory_space<vmem>>
    %dma_start3A_75 = arith.constant 0 : i32
    %dma_start3A_76 = tpu.memref_slice %arg6[%dma_start3A_71, %dma_start3A_75] : memref<13x128xi32, #tpu.memory_space<vmem>> -> memref<1x128xi32, #tpu.memory_space<vmem>>
    %dma_start3A_77 = tpu.memref_squeeze %dma_start3A_76 : memref<1x128xi32, #tpu.memory_space<vmem>> -> memref<128xi32, #tpu.memory_space<vmem>>
    %dma_start3A_78 = arith.constant 0 : i32
    %dma_start3A_79 = tpu.memref_slice %arg5[%dma_start3A_78] : memref<1003520xf32, #tpu.memory_space<hbm>> -> memref<1003520xf32, #tpu.memory_space<hbm>>
    tpu.enqueue_indirect_dma source(%dma_start3A_74 : memref<128xf32, #tpu.memory_space<vmem>>) target(%dma_start3A_79 : memref<1003520xf32, #tpu.memory_space<hbm>>) offsets(%dma_start3A_77 : memref<128xi32, #tpu.memory_space<vmem>>) semaphore(%arg8 : memref<!tpu.dma_semaphore, #tpu.memory_space<semaphore_mem>>)
    %dma_start3A_80 = arith.constant 8 : i32
    %dma_start3A_81 = arith.constant 8 : i32
    %dma_start3A_82 = arith.constant 0 : i32
    %dma_start3A_83 = tpu.memref_slice %arg7[%dma_start3A_80, %dma_start3A_82] : memref<13x128xf32, #tpu.memory_space<vmem>> -> memref<1x128xf32, #tpu.memory_space<vmem>>
    %dma_start3A_84 = tpu.memref_squeeze %dma_start3A_83 : memref<1x128xf32, #tpu.memory_space<vmem>> -> memref<128xf32, #tpu.memory_space<vmem>>
    %dma_start3A_85 = arith.constant 0 : i32
    %dma_start3A_86 = tpu.memref_slice %arg6[%dma_start3A_81, %dma_start3A_85] : memref<13x128xi32, #tpu.memory_space<vmem>> -> memref<1x128xi32, #tpu.memory_space<vmem>>
    %dma_start3A_87 = tpu.memref_squeeze %dma_start3A_86 : memref<1x128xi32, #tpu.memory_space<vmem>> -> memref<128xi32, #tpu.memory_space<vmem>>
    %dma_start3A_88 = arith.constant 0 : i32
    %dma_start3A_89 = tpu.memref_slice %arg5[%dma_start3A_88] : memref<1003520xf32, #tpu.memory_space<hbm>> -> memref<1003520xf32, #tpu.memory_space<hbm>>
    tpu.enqueue_indirect_dma source(%dma_start3A_84 : memref<128xf32, #tpu.memory_space<vmem>>) target(%dma_start3A_89 : memref<1003520xf32, #tpu.memory_space<hbm>>) offsets(%dma_start3A_87 : memref<128xi32, #tpu.memory_space<vmem>>) semaphore(%arg8 : memref<!tpu.dma_semaphore, #tpu.memory_space<semaphore_mem>>)
    %dma_start3A_90 = arith.constant 9 : i32
    %dma_start3A_91 = arith.constant 9 : i32
    %dma_start3A_92 = arith.constant 0 : i32
    %dma_start3A_93 = tpu.memref_slice %arg7[%dma_start3A_90, %dma_start3A_92] : memref<13x128xf32, #tpu.memory_space<vmem>> -> memref<1x128xf32, #tpu.memory_space<vmem>>
    %dma_start3A_94 = tpu.memref_squeeze %dma_start3A_93 : memref<1x128xf32, #tpu.memory_space<vmem>> -> memref<128xf32, #tpu.memory_space<vmem>>
    %dma_start3A_95 = arith.constant 0 : i32
    %dma_start3A_96 = tpu.memref_slice %arg6[%dma_start3A_91, %dma_start3A_95] : memref<13x128xi32, #tpu.memory_space<vmem>> -> memref<1x128xi32, #tpu.memory_space<vmem>>
    %dma_start3A_97 = tpu.memref_squeeze %dma_start3A_96 : memref<1x128xi32, #tpu.memory_space<vmem>> -> memref<128xi32, #tpu.memory_space<vmem>>
    %dma_start3A_98 = arith.constant 0 : i32
    %dma_start3A_99 = tpu.memref_slice %arg5[%dma_start3A_98] : memref<1003520xf32, #tpu.memory_space<hbm>> -> memref<1003520xf32, #tpu.memory_space<hbm>>
    tpu.enqueue_indirect_dma source(%dma_start3A_94 : memref<128xf32, #tpu.memory_space<vmem>>) target(%dma_start3A_99 : memref<1003520xf32, #tpu.memory_space<hbm>>) offsets(%dma_start3A_97 : memref<128xi32, #tpu.memory_space<vmem>>) semaphore(%arg8 : memref<!tpu.dma_semaphore, #tpu.memory_space<semaphore_mem>>)
    %dma_start3A_100 = arith.constant 10 : i32
    %dma_start3A_101 = arith.constant 10 : i32
    %dma_start3A_102 = arith.constant 0 : i32
    %dma_start3A_103 = tpu.memref_slice %arg7[%dma_start3A_100, %dma_start3A_102] : memref<13x128xf32, #tpu.memory_space<vmem>> -> memref<1x128xf32, #tpu.memory_space<vmem>>
    %dma_start3A_104 = tpu.memref_squeeze %dma_start3A_103 : memref<1x128xf32, #tpu.memory_space<vmem>> -> memref<128xf32, #tpu.memory_space<vmem>>
    %dma_start3A_105 = arith.constant 0 : i32
    %dma_start3A_106 = tpu.memref_slice %arg6[%dma_start3A_101, %dma_start3A_105] : memref<13x128xi32, #tpu.memory_space<vmem>> -> memref<1x128xi32, #tpu.memory_space<vmem>>
    %dma_start3A_107 = tpu.memref_squeeze %dma_start3A_106 : memref<1x128xi32, #tpu.memory_space<vmem>> -> memref<128xi32, #tpu.memory_space<vmem>>
    %dma_start3A_108 = arith.constant 0 : i32
    %dma_start3A_109 = tpu.memref_slice %arg5[%dma_start3A_108] : memref<1003520xf32, #tpu.memory_space<hbm>> -> memref<1003520xf32, #tpu.memory_space<hbm>>
    tpu.enqueue_indirect_dma source(%dma_start3A_104 : memref<128xf32, #tpu.memory_space<vmem>>) target(%dma_start3A_109 : memref<1003520xf32, #tpu.memory_space<hbm>>) offsets(%dma_start3A_107 : memref<128xi32, #tpu.memory_space<vmem>>) semaphore(%arg8 : memref<!tpu.dma_semaphore, #tpu.memory_space<semaphore_mem>>)
    %dma_start3A_110 = arith.constant 11 : i32
    %dma_start3A_111 = arith.constant 11 : i32
    %dma_start3A_112 = arith.constant 0 : i32
    %dma_start3A_113 = tpu.memref_slice %arg7[%dma_start3A_110, %dma_start3A_112] : memref<13x128xf32, #tpu.memory_space<vmem>> -> memref<1x128xf32, #tpu.memory_space<vmem>>
    %dma_start3A_114 = tpu.memref_squeeze %dma_start3A_113 : memref<1x128xf32, #tpu.memory_space<vmem>> -> memref<128xf32, #tpu.memory_space<vmem>>
    %dma_start3A_115 = arith.constant 0 : i32
    %dma_start3A_116 = tpu.memref_slice %arg6[%dma_start3A_111, %dma_start3A_115] : memref<13x128xi32, #tpu.memory_space<vmem>> -> memref<1x128xi32, #tpu.memory_space<vmem>>
    %dma_start3A_117 = tpu.memref_squeeze %dma_start3A_116 : memref<1x128xi32, #tpu.memory_space<vmem>> -> memref<128xi32, #tpu.memory_space<vmem>>
    %dma_start3A_118 = arith.constant 0 : i32
    %dma_start3A_119 = tpu.memref_slice %arg5[%dma_start3A_118] : memref<1003520xf32, #tpu.memory_space<hbm>> -> memref<1003520xf32, #tpu.memory_space<hbm>>
    tpu.enqueue_indirect_dma source(%dma_start3A_114 : memref<128xf32, #tpu.memory_space<vmem>>) target(%dma_start3A_119 : memref<1003520xf32, #tpu.memory_space<hbm>>) offsets(%dma_start3A_117 : memref<128xi32, #tpu.memory_space<vmem>>) semaphore(%arg8 : memref<!tpu.dma_semaphore, #tpu.memory_space<semaphore_mem>>)
    %dma_start3A_120 = arith.constant 12 : i32
    %dma_start3A_121 = arith.constant 12 : i32
    %dma_start3A_122 = arith.constant 0 : i32
    %dma_start3A_123 = tpu.memref_slice %arg7[%dma_start3A_120, %dma_start3A_122] : memref<13x128xf32, #tpu.memory_space<vmem>> -> memref<1x128xf32, #tpu.memory_space<vmem>>
    %dma_start3A_124 = tpu.memref_squeeze %dma_start3A_123 : memref<1x128xf32, #tpu.memory_space<vmem>> -> memref<128xf32, #tpu.memory_space<vmem>>
    %dma_start3A_125 = arith.constant 0 : i32
    %dma_start3A_126 = tpu.memref_slice %arg6[%dma_start3A_121, %dma_start3A_125] : memref<13x128xi32, #tpu.memory_space<vmem>> -> memref<1x128xi32, #tpu.memory_space<vmem>>
    %dma_start3A_127 = tpu.memref_squeeze %dma_start3A_126 : memref<1x128xi32, #tpu.memory_space<vmem>> -> memref<128xi32, #tpu.memory_space<vmem>>
    %dma_start3A_128 = arith.constant 0 : i32
    %dma_start3A_129 = tpu.memref_slice %arg5[%dma_start3A_128] : memref<1003520xf32, #tpu.memory_space<hbm>> -> memref<1003520xf32, #tpu.memory_space<hbm>>
    tpu.enqueue_indirect_dma source(%dma_start3A_124 : memref<128xf32, #tpu.memory_space<vmem>>) target(%dma_start3A_129 : memref<1003520xf32, #tpu.memory_space<hbm>>) offsets(%dma_start3A_127 : memref<128xi32, #tpu.memory_space<vmem>>) semaphore(%arg8 : memref<!tpu.dma_semaphore, #tpu.memory_space<semaphore_mem>>)
    %dma_wait3A = arith.constant 0 : i32
    %dma_wait3A_130 = arith.constant 0 : i32
    %dma_wait3A_131 = arith.constant 0 : i32
    %dma_wait3A_132 = tpu.memref_slice %arg7[%dma_wait3A, %dma_wait3A_131] : memref<13x128xf32, #tpu.memory_space<vmem>> -> memref<1x128xf32, #tpu.memory_space<vmem>>
    %dma_wait3A_133 = tpu.memref_squeeze %dma_wait3A_132 : memref<1x128xf32, #tpu.memory_space<vmem>> -> memref<128xf32, #tpu.memory_space<vmem>>
    %dma_wait3A_134 = arith.constant 0 : i32
    %dma_wait3A_135 = tpu.memref_slice %arg6[%dma_wait3A_130, %dma_wait3A_134] : memref<13x128xi32, #tpu.memory_space<vmem>> -> memref<1x128xi32, #tpu.memory_space<vmem>>
    %dma_wait3A_136 = tpu.memref_squeeze %dma_wait3A_135 : memref<1x128xi32, #tpu.memory_space<vmem>> -> memref<128xi32, #tpu.memory_space<vmem>>
    %dma_wait3A_137 = arith.constant 0 : i32
    %dma_wait3A_138 = tpu.memref_slice %arg5[%dma_wait3A_137] : memref<1003520xf32, #tpu.memory_space<hbm>> -> memref<1003520xf32, #tpu.memory_space<hbm>>
    tpu.wait_indirect_dma semaphore(%arg8 : memref<!tpu.dma_semaphore, #tpu.memory_space<semaphore_mem>>) src(%dma_wait3A_133 : memref<128xf32, #tpu.memory_space<vmem>>) dst(%dma_wait3A_138 : memref<1003520xf32, #tpu.memory_space<hbm>>)
    %dma_wait3A_139 = arith.constant 1 : i32
    %dma_wait3A_140 = arith.constant 1 : i32
    %dma_wait3A_141 = arith.constant 0 : i32
    %dma_wait3A_142 = tpu.memref_slice %arg7[%dma_wait3A_139, %dma_wait3A_141] : memref<13x128xf32, #tpu.memory_space<vmem>> -> memref<1x128xf32, #tpu.memory_space<vmem>>
    %dma_wait3A_143 = tpu.memref_squeeze %dma_wait3A_142 : memref<1x128xf32, #tpu.memory_space<vmem>> -> memref<128xf32, #tpu.memory_space<vmem>>
    %dma_wait3A_144 = arith.constant 0 : i32
    %dma_wait3A_145 = tpu.memref_slice %arg6[%dma_wait3A_140, %dma_wait3A_144] : memref<13x128xi32, #tpu.memory_space<vmem>> -> memref<1x128xi32, #tpu.memory_space<vmem>>
    %dma_wait3A_146 = tpu.memref_squeeze %dma_wait3A_145 : memref<1x128xi32, #tpu.memory_space<vmem>> -> memref<128xi32, #tpu.memory_space<vmem>>
    %dma_wait3A_147 = arith.constant 0 : i32
    %dma_wait3A_148 = tpu.memref_slice %arg5[%dma_wait3A_147] : memref<1003520xf32, #tpu.memory_space<hbm>> -> memref<1003520xf32, #tpu.memory_space<hbm>>
    tpu.wait_indirect_dma semaphore(%arg8 : memref<!tpu.dma_semaphore, #tpu.memory_space<semaphore_mem>>) src(%dma_wait3A_143 : memref<128xf32, #tpu.memory_space<vmem>>) dst(%dma_wait3A_148 : memref<1003520xf32, #tpu.memory_space<hbm>>)
    %dma_wait3A_149 = arith.constant 2 : i32
    %dma_wait3A_150 = arith.constant 2 : i32
    %dma_wait3A_151 = arith.constant 0 : i32
    %dma_wait3A_152 = tpu.memref_slice %arg7[%dma_wait3A_149, %dma_wait3A_151] : memref<13x128xf32, #tpu.memory_space<vmem>> -> memref<1x128xf32, #tpu.memory_space<vmem>>
    %dma_wait3A_153 = tpu.memref_squeeze %dma_wait3A_152 : memref<1x128xf32, #tpu.memory_space<vmem>> -> memref<128xf32, #tpu.memory_space<vmem>>
    %dma_wait3A_154 = arith.constant 0 : i32
    %dma_wait3A_155 = tpu.memref_slice %arg6[%dma_wait3A_150, %dma_wait3A_154] : memref<13x128xi32, #tpu.memory_space<vmem>> -> memref<1x128xi32, #tpu.memory_space<vmem>>
    %dma_wait3A_156 = tpu.memref_squeeze %dma_wait3A_155 : memref<1x128xi32, #tpu.memory_space<vmem>> -> memref<128xi32, #tpu.memory_space<vmem>>
    %dma_wait3A_157 = arith.constant 0 : i32
    %dma_wait3A_158 = tpu.memref_slice %arg5[%dma_wait3A_157] : memref<1003520xf32, #tpu.memory_space<hbm>> -> memref<1003520xf32, #tpu.memory_space<hbm>>
    tpu.wait_indirect_dma semaphore(%arg8 : memref<!tpu.dma_semaphore, #tpu.memory_space<semaphore_mem>>) src(%dma_wait3A_153 : memref<128xf32, #tpu.memory_space<vmem>>) dst(%dma_wait3A_158 : memref<1003520xf32, #tpu.memory_space<hbm>>)
    %dma_wait3A_159 = arith.constant 3 : i32
    %dma_wait3A_160 = arith.constant 3 : i32
    %dma_wait3A_161 = arith.constant 0 : i32
    %dma_wait3A_162 = tpu.memref_slice %arg7[%dma_wait3A_159, %dma_wait3A_161] : memref<13x128xf32, #tpu.memory_space<vmem>> -> memref<1x128xf32, #tpu.memory_space<vmem>>
    %dma_wait3A_163 = tpu.memref_squeeze %dma_wait3A_162 : memref<1x128xf32, #tpu.memory_space<vmem>> -> memref<128xf32, #tpu.memory_space<vmem>>
    %dma_wait3A_164 = arith.constant 0 : i32
    %dma_wait3A_165 = tpu.memref_slice %arg6[%dma_wait3A_160, %dma_wait3A_164] : memref<13x128xi32, #tpu.memory_space<vmem>> -> memref<1x128xi32, #tpu.memory_space<vmem>>
    %dma_wait3A_166 = tpu.memref_squeeze %dma_wait3A_165 : memref<1x128xi32, #tpu.memory_space<vmem>> -> memref<128xi32, #tpu.memory_space<vmem>>
    %dma_wait3A_167 = arith.constant 0 : i32
    %dma_wait3A_168 = tpu.memref_slice %arg5[%dma_wait3A_167] : memref<1003520xf32, #tpu.memory_space<hbm>> -> memref<1003520xf32, #tpu.memory_space<hbm>>
    tpu.wait_indirect_dma semaphore(%arg8 : memref<!tpu.dma_semaphore, #tpu.memory_space<semaphore_mem>>) src(%dma_wait3A_163 : memref<128xf32, #tpu.memory_space<vmem>>) dst(%dma_wait3A_168 : memref<1003520xf32, #tpu.memory_space<hbm>>)
    %dma_wait3A_169 = arith.constant 4 : i32
    %dma_wait3A_170 = arith.constant 4 : i32
    %dma_wait3A_171 = arith.constant 0 : i32
    %dma_wait3A_172 = tpu.memref_slice %arg7[%dma_wait3A_169, %dma_wait3A_171] : memref<13x128xf32, #tpu.memory_space<vmem>> -> memref<1x128xf32, #tpu.memory_space<vmem>>
    %dma_wait3A_173 = tpu.memref_squeeze %dma_wait3A_172 : memref<1x128xf32, #tpu.memory_space<vmem>> -> memref<128xf32, #tpu.memory_space<vmem>>
    %dma_wait3A_174 = arith.constant 0 : i32
    %dma_wait3A_175 = tpu.memref_slice %arg6[%dma_wait3A_170, %dma_wait3A_174] : memref<13x128xi32, #tpu.memory_space<vmem>> -> memref<1x128xi32, #tpu.memory_space<vmem>>
    %dma_wait3A_176 = tpu.memref_squeeze %dma_wait3A_175 : memref<1x128xi32, #tpu.memory_space<vmem>> -> memref<128xi32, #tpu.memory_space<vmem>>
    %dma_wait3A_177 = arith.constant 0 : i32
    %dma_wait3A_178 = tpu.memref_slice %arg5[%dma_wait3A_177] : memref<1003520xf32, #tpu.memory_space<hbm>> -> memref<1003520xf32, #tpu.memory_space<hbm>>
    tpu.wait_indirect_dma semaphore(%arg8 : memref<!tpu.dma_semaphore, #tpu.memory_space<semaphore_mem>>) src(%dma_wait3A_173 : memref<128xf32, #tpu.memory_space<vmem>>) dst(%dma_wait3A_178 : memref<1003520xf32, #tpu.memory_space<hbm>>)
    %dma_wait3A_179 = arith.constant 5 : i32
    %dma_wait3A_180 = arith.constant 5 : i32
    %dma_wait3A_181 = arith.constant 0 : i32
    %dma_wait3A_182 = tpu.memref_slice %arg7[%dma_wait3A_179, %dma_wait3A_181] : memref<13x128xf32, #tpu.memory_space<vmem>> -> memref<1x128xf32, #tpu.memory_space<vmem>>
    %dma_wait3A_183 = tpu.memref_squeeze %dma_wait3A_182 : memref<1x128xf32, #tpu.memory_space<vmem>> -> memref<128xf32, #tpu.memory_space<vmem>>
    %dma_wait3A_184 = arith.constant 0 : i32
    %dma_wait3A_185 = tpu.memref_slice %arg6[%dma_wait3A_180, %dma_wait3A_184] : memref<13x128xi32, #tpu.memory_space<vmem>> -> memref<1x128xi32, #tpu.memory_space<vmem>>
    %dma_wait3A_186 = tpu.memref_squeeze %dma_wait3A_185 : memref<1x128xi32, #tpu.memory_space<vmem>> -> memref<128xi32, #tpu.memory_space<vmem>>
    %dma_wait3A_187 = arith.constant 0 : i32
    %dma_wait3A_188 = tpu.memref_slice %arg5[%dma_wait3A_187] : memref<1003520xf32, #tpu.memory_space<hbm>> -> memref<1003520xf32, #tpu.memory_space<hbm>>
    tpu.wait_indirect_dma semaphore(%arg8 : memref<!tpu.dma_semaphore, #tpu.memory_space<semaphore_mem>>) src(%dma_wait3A_183 : memref<128xf32, #tpu.memory_space<vmem>>) dst(%dma_wait3A_188 : memref<1003520xf32, #tpu.memory_space<hbm>>)
    %dma_wait3A_189 = arith.constant 6 : i32
    %dma_wait3A_190 = arith.constant 6 : i32
    %dma_wait3A_191 = arith.constant 0 : i32
    %dma_wait3A_192 = tpu.memref_slice %arg7[%dma_wait3A_189, %dma_wait3A_191] : memref<13x128xf32, #tpu.memory_space<vmem>> -> memref<1x128xf32, #tpu.memory_space<vmem>>
    %dma_wait3A_193 = tpu.memref_squeeze %dma_wait3A_192 : memref<1x128xf32, #tpu.memory_space<vmem>> -> memref<128xf32, #tpu.memory_space<vmem>>
    %dma_wait3A_194 = arith.constant 0 : i32
    %dma_wait3A_195 = tpu.memref_slice %arg6[%dma_wait3A_190, %dma_wait3A_194] : memref<13x128xi32, #tpu.memory_space<vmem>> -> memref<1x128xi32, #tpu.memory_space<vmem>>
    %dma_wait3A_196 = tpu.memref_squeeze %dma_wait3A_195 : memref<1x128xi32, #tpu.memory_space<vmem>> -> memref<128xi32, #tpu.memory_space<vmem>>
    %dma_wait3A_197 = arith.constant 0 : i32
    %dma_wait3A_198 = tpu.memref_slice %arg5[%dma_wait3A_197] : memref<1003520xf32, #tpu.memory_space<hbm>> -> memref<1003520xf32, #tpu.memory_space<hbm>>
    tpu.wait_indirect_dma semaphore(%arg8 : memref<!tpu.dma_semaphore, #tpu.memory_space<semaphore_mem>>) src(%dma_wait3A_193 : memref<128xf32, #tpu.memory_space<vmem>>) dst(%dma_wait3A_198 : memref<1003520xf32, #tpu.memory_space<hbm>>)
    %dma_wait3A_199 = arith.constant 7 : i32
    %dma_wait3A_200 = arith.constant 7 : i32
    %dma_wait3A_201 = arith.constant 0 : i32
    %dma_wait3A_202 = tpu.memref_slice %arg7[%dma_wait3A_199, %dma_wait3A_201] : memref<13x128xf32, #tpu.memory_space<vmem>> -> memref<1x128xf32, #tpu.memory_space<vmem>>
    %dma_wait3A_203 = tpu.memref_squeeze %dma_wait3A_202 : memref<1x128xf32, #tpu.memory_space<vmem>> -> memref<128xf32, #tpu.memory_space<vmem>>
    %dma_wait3A_204 = arith.constant 0 : i32
    %dma_wait3A_205 = tpu.memref_slice %arg6[%dma_wait3A_200, %dma_wait3A_204] : memref<13x128xi32, #tpu.memory_space<vmem>> -> memref<1x128xi32, #tpu.memory_space<vmem>>
    %dma_wait3A_206 = tpu.memref_squeeze %dma_wait3A_205 : memref<1x128xi32, #tpu.memory_space<vmem>> -> memref<128xi32, #tpu.memory_space<vmem>>
    %dma_wait3A_207 = arith.constant 0 : i32
    %dma_wait3A_208 = tpu.memref_slice %arg5[%dma_wait3A_207] : memref<1003520xf32, #tpu.memory_space<hbm>> -> memref<1003520xf32, #tpu.memory_space<hbm>>
    tpu.wait_indirect_dma semaphore(%arg8 : memref<!tpu.dma_semaphore, #tpu.memory_space<semaphore_mem>>) src(%dma_wait3A_203 : memref<128xf32, #tpu.memory_space<vmem>>) dst(%dma_wait3A_208 : memref<1003520xf32, #tpu.memory_space<hbm>>)
    %dma_wait3A_209 = arith.constant 8 : i32
    %dma_wait3A_210 = arith.constant 8 : i32
    %dma_wait3A_211 = arith.constant 0 : i32
    %dma_wait3A_212 = tpu.memref_slice %arg7[%dma_wait3A_209, %dma_wait3A_211] : memref<13x128xf32, #tpu.memory_space<vmem>> -> memref<1x128xf32, #tpu.memory_space<vmem>>
    %dma_wait3A_213 = tpu.memref_squeeze %dma_wait3A_212 : memref<1x128xf32, #tpu.memory_space<vmem>> -> memref<128xf32, #tpu.memory_space<vmem>>
    %dma_wait3A_214 = arith.constant 0 : i32
    %dma_wait3A_215 = tpu.memref_slice %arg6[%dma_wait3A_210, %dma_wait3A_214] : memref<13x128xi32, #tpu.memory_space<vmem>> -> memref<1x128xi32, #tpu.memory_space<vmem>>
    %dma_wait3A_216 = tpu.memref_squeeze %dma_wait3A_215 : memref<1x128xi32, #tpu.memory_space<vmem>> -> memref<128xi32, #tpu.memory_space<vmem>>
    %dma_wait3A_217 = arith.constant 0 : i32
    %dma_wait3A_218 = tpu.memref_slice %arg5[%dma_wait3A_217] : memref<1003520xf32, #tpu.memory_space<hbm>> -> memref<1003520xf32, #tpu.memory_space<hbm>>
    tpu.wait_indirect_dma semaphore(%arg8 : memref<!tpu.dma_semaphore, #tpu.memory_space<semaphore_mem>>) src(%dma_wait3A_213 : memref<128xf32, #tpu.memory_space<vmem>>) dst(%dma_wait3A_218 : memref<1003520xf32, #tpu.memory_space<hbm>>)
    %dma_wait3A_219 = arith.constant 9 : i32
    %dma_wait3A_220 = arith.constant 9 : i32
    %dma_wait3A_221 = arith.constant 0 : i32
    %dma_wait3A_222 = tpu.memref_slice %arg7[%dma_wait3A_219, %dma_wait3A_221] : memref<13x128xf32, #tpu.memory_space<vmem>> -> memref<1x128xf32, #tpu.memory_space<vmem>>
    %dma_wait3A_223 = tpu.memref_squeeze %dma_wait3A_222 : memref<1x128xf32, #tpu.memory_space<vmem>> -> memref<128xf32, #tpu.memory_space<vmem>>
    %dma_wait3A_224 = arith.constant 0 : i32
    %dma_wait3A_225 = tpu.memref_slice %arg6[%dma_wait3A_220, %dma_wait3A_224] : memref<13x128xi32, #tpu.memory_space<vmem>> -> memref<1x128xi32, #tpu.memory_space<vmem>>
    %dma_wait3A_226 = tpu.memref_squeeze %dma_wait3A_225 : memref<1x128xi32, #tpu.memory_space<vmem>> -> memref<128xi32, #tpu.memory_space<vmem>>
    %dma_wait3A_227 = arith.constant 0 : i32
    %dma_wait3A_228 = tpu.memref_slice %arg5[%dma_wait3A_227] : memref<1003520xf32, #tpu.memory_space<hbm>> -> memref<1003520xf32, #tpu.memory_space<hbm>>
    tpu.wait_indirect_dma semaphore(%arg8 : memref<!tpu.dma_semaphore, #tpu.memory_space<semaphore_mem>>) src(%dma_wait3A_223 : memref<128xf32, #tpu.memory_space<vmem>>) dst(%dma_wait3A_228 : memref<1003520xf32, #tpu.memory_space<hbm>>)
    %dma_wait3A_229 = arith.constant 10 : i32
    %dma_wait3A_230 = arith.constant 10 : i32
    %dma_wait3A_231 = arith.constant 0 : i32
    %dma_wait3A_232 = tpu.memref_slice %arg7[%dma_wait3A_229, %dma_wait3A_231] : memref<13x128xf32, #tpu.memory_space<vmem>> -> memref<1x128xf32, #tpu.memory_space<vmem>>
    %dma_wait3A_233 = tpu.memref_squeeze %dma_wait3A_232 : memref<1x128xf32, #tpu.memory_space<vmem>> -> memref<128xf32, #tpu.memory_space<vmem>>
    %dma_wait3A_234 = arith.constant 0 : i32
    %dma_wait3A_235 = tpu.memref_slice %arg6[%dma_wait3A_230, %dma_wait3A_234] : memref<13x128xi32, #tpu.memory_space<vmem>> -> memref<1x128xi32, #tpu.memory_space<vmem>>
    %dma_wait3A_236 = tpu.memref_squeeze %dma_wait3A_235 : memref<1x128xi32, #tpu.memory_space<vmem>> -> memref<128xi32, #tpu.memory_space<vmem>>
    %dma_wait3A_237 = arith.constant 0 : i32
    %dma_wait3A_238 = tpu.memref_slice %arg5[%dma_wait3A_237] : memref<1003520xf32, #tpu.memory_space<hbm>> -> memref<1003520xf32, #tpu.memory_space<hbm>>
    tpu.wait_indirect_dma semaphore(%arg8 : memref<!tpu.dma_semaphore, #tpu.memory_space<semaphore_mem>>) src(%dma_wait3A_233 : memref<128xf32, #tpu.memory_space<vmem>>) dst(%dma_wait3A_238 : memref<1003520xf32, #tpu.memory_space<hbm>>)
    %dma_wait3A_239 = arith.constant 11 : i32
    %dma_wait3A_240 = arith.constant 11 : i32
    %dma_wait3A_241 = arith.constant 0 : i32
    %dma_wait3A_242 = tpu.memref_slice %arg7[%dma_wait3A_239, %dma_wait3A_241] : memref<13x128xf32, #tpu.memory_space<vmem>> -> memref<1x128xf32, #tpu.memory_space<vmem>>
    %dma_wait3A_243 = tpu.memref_squeeze %dma_wait3A_242 : memref<1x128xf32, #tpu.memory_space<vmem>> -> memref<128xf32, #tpu.memory_space<vmem>>
    %dma_wait3A_244 = arith.constant 0 : i32
    %dma_wait3A_245 = tpu.memref_slice %arg6[%dma_wait3A_240, %dma_wait3A_244] : memref<13x128xi32, #tpu.memory_space<vmem>> -> memref<1x128xi32, #tpu.memory_space<vmem>>
    %dma_wait3A_246 = tpu.memref_squeeze %dma_wait3A_245 : memref<1x128xi32, #tpu.memory_space<vmem>> -> memref<128xi32, #tpu.memory_space<vmem>>
    %dma_wait3A_247 = arith.constant 0 : i32
    %dma_wait3A_248 = tpu.memref_slice %arg5[%dma_wait3A_247] : memref<1003520xf32, #tpu.memory_space<hbm>> -> memref<1003520xf32, #tpu.memory_space<hbm>>
    tpu.wait_indirect_dma semaphore(%arg8 : memref<!tpu.dma_semaphore, #tpu.memory_space<semaphore_mem>>) src(%dma_wait3A_243 : memref<128xf32, #tpu.memory_space<vmem>>) dst(%dma_wait3A_248 : memref<1003520xf32, #tpu.memory_space<hbm>>)
    %dma_wait3A_249 = arith.constant 12 : i32
    %dma_wait3A_250 = arith.constant 12 : i32
    %dma_wait3A_251 = arith.constant 0 : i32
    %dma_wait3A_252 = tpu.memref_slice %arg7[%dma_wait3A_249, %dma_wait3A_251] : memref<13x128xf32, #tpu.memory_space<vmem>> -> memref<1x128xf32, #tpu.memory_space<vmem>>
    %dma_wait3A_253 = tpu.memref_squeeze %dma_wait3A_252 : memref<1x128xf32, #tpu.memory_space<vmem>> -> memref<128xf32, #tpu.memory_space<vmem>>
    %dma_wait3A_254 = arith.constant 0 : i32
    %dma_wait3A_255 = tpu.memref_slice %arg6[%dma_wait3A_250, %dma_wait3A_254] : memref<13x128xi32, #tpu.memory_space<vmem>> -> memref<1x128xi32, #tpu.memory_space<vmem>>
    %dma_wait3A_256 = tpu.memref_squeeze %dma_wait3A_255 : memref<1x128xi32, #tpu.memory_space<vmem>> -> memref<128xi32, #tpu.memory_space<vmem>>
    %dma_wait3A_257 = arith.constant 0 : i32
    %dma_wait3A_258 = tpu.memref_slice %arg5[%dma_wait3A_257] : memref<1003520xf32, #tpu.memory_space<hbm>> -> memref<1003520xf32, #tpu.memory_space<hbm>>
    tpu.wait_indirect_dma semaphore(%arg8 : memref<!tpu.dma_semaphore, #tpu.memory_space<semaphore_mem>>) src(%dma_wait3A_253 : memref<128xf32, #tpu.memory_space<vmem>>) dst(%dma_wait3A_258 : memref<1003520xf32, #tpu.memory_space<hbm>>)
    return
  }
}

module attributes {stable_mosaic.version = 14 : i64} {
  func.func @_flash_body(%arg0: i32, %arg1: i32, %arg2: memref<1024x16xf32, #tpu.memory_space<vmem>>, %arg3: memref<1024x1xi32, #tpu.memory_space<vmem>>, %arg4: memref<1024x1xf32, #tpu.memory_space<vmem>>, %arg5: memref<24x7168xbf16, #tpu.memory_space<vmem>>, %arg6: memref<8x24xi32, #tpu.memory_space<vmem>>, %arg7: memref<16x16xf32, #tpu.memory_space<vmem>>, %arg8: memref<16x16xf32, #tpu.memory_space<vmem>>, %arg9: memref<16x24xf32, #tpu.memory_space<vmem>>, %arg10: memref<24x16xf32, #tpu.memory_space<vmem>>, %arg11: memref<16x16xf32, #tpu.memory_space<vmem>>, %arg12: memref<8x16xf32, #tpu.memory_space<vmem>>, %arg13: memref<8x16xf32, #tpu.memory_space<vmem>>, %arg14: memref<8x8xf32, #tpu.memory_space<vmem>>, %arg15: memref<1024x16xf32, #tpu.memory_space<vmem>>, %arg16: memref<1024x24xf32, #tpu.memory_space<vmem>>, %arg17: memref<1024x24xf32, #tpu.memory_space<vmem>>) attributes {dimension_semantics = [#tpu.dimension_semantics<arbitrary>, #tpu.dimension_semantics<arbitrary>], iteration_bounds = array<i64: 10, 7>, scalar_prefetch = 0 : i64, scratch_operands = 2 : i64, tpu.core_type = #tpu.core_type<tc>, window_params = [{transform_indices = @transform_0, window_bounds = array<i64: 1024, 16>}, {transform_indices = @transform_1, window_bounds = array<i64: 1024, 1>}, {transform_indices = @transform_2, window_bounds = array<i64: 1024, 1>}, {transform_indices = @transform_3, window_bounds = array<i64: 24, 7168>}, {pipeline_mode = #tpu.pipeline_mode<synchronous>, transform_indices = @transform_4, window_bounds = array<i64: 8, 24>}, {pipeline_mode = #tpu.pipeline_mode<synchronous>, transform_indices = @transform_5, window_bounds = array<i64: 16, 16>}, {pipeline_mode = #tpu.pipeline_mode<synchronous>, transform_indices = @transform_6, window_bounds = array<i64: 16, 16>}, {pipeline_mode = #tpu.pipeline_mode<synchronous>, transform_indices = @transform_7, window_bounds = array<i64: 16, 24>}, {pipeline_mode = #tpu.pipeline_mode<synchronous>, transform_indices = @transform_8, window_bounds = array<i64: 24, 16>}, {pipeline_mode = #tpu.pipeline_mode<synchronous>, transform_indices = @transform_9, window_bounds = array<i64: 16, 16>}, {pipeline_mode = #tpu.pipeline_mode<synchronous>, transform_indices = @transform_10, window_bounds = array<i64: 8, 16>}, {pipeline_mode = #tpu.pipeline_mode<synchronous>, transform_indices = @transform_11, window_bounds = array<i64: 8, 16>}, {pipeline_mode = #tpu.pipeline_mode<synchronous>, transform_indices = @transform_12, window_bounds = array<i64: 8, 8>}, {transform_indices = @transform_13, window_bounds = array<i64: 1024, 16>}]} {
    %eq3A = arith.constant 0 : i32
    %eq3A_0 = arith.cmpi eq, %arg1, %eq3A : i32
    %convert_element_type3A = arith.extui %eq3A_0 : i1 to i32
    %cond3A = arith.constant 0 : i32
    %cond3A_1 = arith.cmpi ne, %convert_element_type3A, %cond3A : i32
    scf.if %cond3A_1 {
      %get3A_25 = arith.constant 0 : index
      %get3A_26 = arith.constant 0 : index
      %get3A_27 = vector.load %arg2[%get3A_25, %get3A_26] : memref<1024x16xf32, #tpu.memory_space<vmem>>, vector<1024x16xf32>
      %get3A_28 = arith.constant 0 : index
      %get3A_29 = arith.constant 0 : index
      %get3A_30 = vector.load %arg7[%get3A_28, %get3A_29] : memref<16x16xf32, #tpu.memory_space<vmem>>, vector<16x16xf32>
      %dot_general3A_31 = arith.constant dense<0.000000e+00> : vector<1024x16xf32>
      %dot_general3A_32 = tpu.matmul %get3A_27, %get3A_30, %dot_general3A_31 {dimension_numbers = #tpu.dot_dimension_numbers<[1], [0], [0], [1], [0, 0, 1, 1], [], []>, transpose_lhs_hint = false} : vector<1024x16xf32>, vector<16x16xf32>, vector<1024x16xf32> -> vector<1024x16xf32>
      %get3A_33 = arith.constant 0 : index
      %get3A_34 = arith.constant 0 : index
      %get3A_35 = vector.load %arg12[%get3A_33, %get3A_34] : memref<8x16xf32, #tpu.memory_space<vmem>>, vector<1x16xf32>
      %add3A_36 = vector.broadcast %get3A_35 : vector<1x16xf32> to vector<1024x16xf32>
      %add3A_37 = arith.addf %dot_general3A_32, %add3A_36 : vector<1024x16xf32>
      %get3A_38 = arith.constant 0 : index
      %get3A_39 = arith.constant 0 : index
      %get3A_40 = vector.load %arg8[%get3A_38, %get3A_39] : memref<16x16xf32, #tpu.memory_space<vmem>>, vector<16x16xf32>
      %dot_general3A_41 = arith.constant dense<0.000000e+00> : vector<1024x16xf32>
      %dot_general3A_42 = tpu.matmul %add3A_37, %get3A_40, %dot_general3A_41 {dimension_numbers = #tpu.dot_dimension_numbers<[1], [0], [0], [1], [0, 0, 1, 1], [], []>, transpose_lhs_hint = false} : vector<1024x16xf32>, vector<16x16xf32>, vector<1024x16xf32> -> vector<1024x16xf32>
      %get3A_43 = arith.constant 0 : index
      %get3A_44 = arith.constant 0 : index
      %get3A_45 = vector.load %arg6[%get3A_43, %get3A_44] : memref<8x24xi32, #tpu.memory_space<vmem>>, vector<1x24xi32>
      %get3A_46 = arith.constant 0 : index
      %get3A_47 = arith.constant 0 : index
      %get3A_48 = vector.load %arg3[%get3A_46, %get3A_47] : memref<1024x1xi32, #tpu.memory_space<vmem>>, vector<1024x1xi32>
      %eq3A_49 = vector.broadcast %get3A_45 : vector<1x24xi32> to vector<1024x24xi32>
      %eq3A_50 = vector.broadcast %get3A_48 : vector<1024x1xi32> to vector<1024x24xi32>
      %eq3A_51 = arith.cmpi eq, %eq3A_49, %eq3A_50 : vector<1024x24xi32>
      %convert_element_type3A_52 = arith.extui %eq3A_51 : vector<1024x24xi1> to vector<1024x24xi32>
      %convert_element_type3A_53 = arith.sitofp %convert_element_type3A_52 : vector<1024x24xi32> to vector<1024x24xf32>
      %get3A_54 = arith.constant 0 : index
      %get3A_55 = arith.constant 0 : index
      %get3A_56 = vector.load %arg9[%get3A_54, %get3A_55] : memref<16x24xf32, #tpu.memory_space<vmem>>, vector<16x24xf32>
      %dot_general3A_57 = arith.constant dense<0.000000e+00> : vector<1024x24xf32>
      %dot_general3A_58 = tpu.matmul %dot_general3A_42, %get3A_56, %dot_general3A_57 {dimension_numbers = #tpu.dot_dimension_numbers<[1], [0], [0], [1], [0, 0, 1, 1], [], []>, transpose_lhs_hint = false} : vector<1024x16xf32>, vector<16x24xf32>, vector<1024x24xf32> -> vector<1024x24xf32>
      %mul3A = arith.mulf %dot_general3A_58, %convert_element_type3A_53 : vector<1024x24xf32>
      %mul3A_59 = arith.constant 1.44269502 : f32
      %mul3A_60 = vector.broadcast %mul3A_59 : f32 to vector<1024x24xf32>
      %mul3A_61 = arith.mulf %mul3A, %mul3A_60 : vector<1024x24xf32>
      %mul3A_62 = arith.mulf %mul3A_61, %mul3A_61 : vector<1024x24xf32>
      %reduce_sum3A = arith.constant dense<0.000000e+00> : vector<1024xf32>
      %reduce_sum3A_63 = vector.multi_reduction <add>, %mul3A_62, %reduce_sum3A [1] : vector<1024x24xf32> to vector<1024xf32>
      %broadcast_in_dim3A = vector.shape_cast %reduce_sum3A_63 : vector<1024xf32> to vector<1024x1xf32>
      %sqrt3A = math.sqrt %broadcast_in_dim3A : vector<1024x1xf32>
      %get3A_64 = arith.constant 0 : index
      %get3A_65 = arith.constant 0 : index
      %get3A_66 = vector.load %arg14[%get3A_64, %get3A_65] : memref<8x8xf32, #tpu.memory_space<vmem>>, vector<1x1xf32>
      %mul3A_67 = vector.broadcast %get3A_66 : vector<1x1xf32> to vector<1024x1xf32>
      %mul3A_68 = arith.mulf %sqrt3A, %mul3A_67 : vector<1024x1xf32>
      %get3A_69 = arith.constant 0 : index
      %get3A_70 = arith.constant 0 : index
      %get3A_71 = vector.load %arg6[%get3A_69, %get3A_70] : memref<8x24xi32, #tpu.memory_space<vmem>>, vector<1x24xi32>
      %eq3A_72 = arith.constant 100 : i32
      %eq3A_73 = vector.broadcast %eq3A_72 : i32 to vector<1x24xi32>
      %eq3A_74 = arith.cmpi eq, %get3A_71, %eq3A_73 : vector<1x24xi32>
      %convert_element_type3A_75 = arith.extui %eq3A_74 : vector<1x24xi1> to vector<1x24xi32>
      %convert_element_type3A_76 = arith.sitofp %convert_element_type3A_75 : vector<1x24xi32> to vector<1x24xf32>
      %mul3A_77 = vector.broadcast %mul3A_68 : vector<1024x1xf32> to vector<1024x24xf32>
      %mul3A_78 = vector.broadcast %convert_element_type3A_76 : vector<1x24xf32> to vector<1024x24xf32>
      %mul3A_79 = arith.mulf %mul3A_77, %mul3A_78 : vector<1024x24xf32>
      %sub3A = arith.subf %mul3A_61, %mul3A_79 : vector<1024x24xf32>
      %swap3A_80 = arith.constant 0 : index
      %swap3A_81 = arith.constant 0 : index
      %swap3A_82 = vector.load %arg16[%swap3A_80, %swap3A_81] : memref<1024x24xf32, #tpu.memory_space<vmem>>, vector<1024x24xf32>
      tpu.vector_store %arg16[%swap3A_80, %swap3A_81], %sub3A {strides = array<i32>} : memref<1024x24xf32, #tpu.memory_space<vmem>>, vector<1024x24xf32>,
      %broadcast_in_dim3A_83 = arith.constant 0.000000e+00 : f32
      %broadcast_in_dim3A_84 = vector.broadcast %broadcast_in_dim3A_83 : f32 to vector<1024x24xf32>
      %swap3A_85 = arith.constant 0 : index
      %swap3A_86 = arith.constant 0 : index
      %swap3A_87 = vector.load %arg17[%swap3A_85, %swap3A_86] : memref<1024x24xf32, #tpu.memory_space<vmem>>, vector<1024x24xf32>
      tpu.vector_store %arg17[%swap3A_85, %swap3A_86], %broadcast_in_dim3A_84 {strides = array<i32>} : memref<1024x24xf32, #tpu.memory_space<vmem>>, vector<1024x24xf32>,
    } else {
    }
    %get3A = arith.constant 0 : index
    %get3A_2 = arith.constant 0 : index
    %get3A_3 = vector.load %arg16[%get3A, %get3A_2] : memref<1024x24xf32, #tpu.memory_space<vmem>>, vector<1024x24xf32>
    %convert_element_type3A_4 = arith.truncf %get3A_3 : vector<1024x24xf32> to vector<1024x24xbf16>
    %get3A_5 = arith.constant 0 : index
    %get3A_6 = arith.constant 0 : index
    %get3A_7 = vector.load %arg5[%get3A_5, %get3A_6] : memref<24x7168xbf16, #tpu.memory_space<vmem>>, vector<24x7168xbf16>
    %dot_general3A = arith.constant dense<0.000000e+00> : vector<1024x7168xf32>
    %dot_general3A_8 = tpu.matmul %convert_element_type3A_4, %get3A_7, %dot_general3A {dimension_numbers = #tpu.dot_dimension_numbers<[1], [0], [0], [1], [0, 0, 1, 1], [], []>, transpose_lhs_hint = false} : vector<1024x24xbf16>, vector<24x7168xbf16>, vector<1024x7168xf32> -> vector<1024x7168xf32>
    %exp23A = math.exp2 %dot_general3A_8 : vector<1024x7168xf32>
    %get3A_9 = arith.constant 0 : index
    %get3A_10 = arith.constant 0 : index
    %get3A_11 = vector.load %arg17[%get3A_9, %get3A_10] : memref<1024x24xf32, #tpu.memory_space<vmem>>, vector<1024x24xf32>
    %convert_element_type3A_12 = arith.truncf %exp23A : vector<1024x7168xf32> to vector<1024x7168xbf16>
    %get3A_13 = arith.constant 0 : index
    %get3A_14 = arith.constant 0 : index
    %get3A_15 = vector.load %arg5[%get3A_13, %get3A_14] : memref<24x7168xbf16, #tpu.memory_space<vmem>>, vector<24x7168xbf16>
    %dot_general3A_16 = arith.constant dense<0.000000e+00> : vector<1024x24xf32>
    %dot_general3A_17 = tpu.matmul %convert_element_type3A_12, %get3A_15, %dot_general3A_16 {dimension_numbers = #tpu.dot_dimension_numbers<[1], [1], [0], [0], [0, 0, 1, 0], [], []>, transpose_lhs_hint = false} : vector<1024x7168xbf16>, vector<24x7168xbf16>, vector<1024x24xf32> -> vector<1024x24xf32>
    %add3A = arith.addf %get3A_11, %dot_general3A_17 : vector<1024x24xf32>
    %swap3A = arith.constant 0 : index
    %swap3A_18 = arith.constant 0 : index
    %swap3A_19 = vector.load %arg17[%swap3A, %swap3A_18] : memref<1024x24xf32, #tpu.memory_space<vmem>>, vector<1024x24xf32>
    tpu.vector_store %arg17[%swap3A, %swap3A_18], %add3A {strides = array<i32>} : memref<1024x24xf32, #tpu.memory_space<vmem>>, vector<1024x24xf32>,
    %eq3A_20 = arith.constant 6 : i32
    %eq3A_21 = arith.cmpi eq, %arg1, %eq3A_20 : i32
    %convert_element_type3A_22 = arith.extui %eq3A_21 : i1 to i32
    %cond3A_23 = arith.constant 0 : i32
    %cond3A_24 = arith.cmpi ne, %convert_element_type3A_22, %cond3A_23 : i32
    scf.if %cond3A_24 {
      %get3A_25 = arith.constant 0 : index
      %get3A_26 = arith.constant 0 : index
      %get3A_27 = vector.load %arg6[%get3A_25, %get3A_26] : memref<8x24xi32, #tpu.memory_space<vmem>>, vector<1x24xi32>
      %get3A_28 = arith.constant 0 : index
      %get3A_29 = arith.constant 0 : index
      %get3A_30 = vector.load %arg3[%get3A_28, %get3A_29] : memref<1024x1xi32, #tpu.memory_space<vmem>>, vector<1024x1xi32>
      %eq3A_31 = vector.broadcast %get3A_27 : vector<1x24xi32> to vector<1024x24xi32>
      %eq3A_32 = vector.broadcast %get3A_30 : vector<1024x1xi32> to vector<1024x24xi32>
      %eq3A_33 = arith.cmpi eq, %eq3A_31, %eq3A_32 : vector<1024x24xi32>
      %convert_element_type3A_34 = arith.extui %eq3A_33 : vector<1024x24xi1> to vector<1024x24xi32>
      %convert_element_type3A_35 = arith.sitofp %convert_element_type3A_34 : vector<1024x24xi32> to vector<1024x24xf32>
      %get3A_36 = arith.constant 0 : index
      %get3A_37 = arith.constant 0 : index
      %get3A_38 = vector.load %arg17[%get3A_36, %get3A_37] : memref<1024x24xf32, #tpu.memory_space<vmem>>, vector<1024x24xf32>
      %get3A_39 = arith.constant 0 : index
      %get3A_40 = arith.constant 0 : index
      %get3A_41 = vector.load %arg17[%get3A_39, %get3A_40] : memref<1024x24xf32, #tpu.memory_space<vmem>>, vector<1024x24xf32>
      %slice3A = vector.extract_strided_slice %get3A_41 {offsets = [0, 20], sizes = [1024, 1], strides = [1, 1]} : vector<1024x24xf32> to vector<1024x1xf32>
      %add3A_42 = arith.constant 1.000000e-30 : f32
      %add3A_43 = vector.broadcast %add3A_42 : f32 to vector<1024x1xf32>
      %add3A_44 = arith.addf %slice3A, %add3A_43 : vector<1024x1xf32>
      %div3A = vector.broadcast %add3A_44 : vector<1024x1xf32> to vector<1024x24xf32>
      %div3A_45 = arith.divf %get3A_38, %div3A : vector<1024x24xf32>
      %mul3A = arith.mulf %div3A_45, %convert_element_type3A_35 : vector<1024x24xf32>
      %get3A_46 = arith.constant 0 : index
      %get3A_47 = arith.constant 0 : index
      %get3A_48 = vector.load %arg10[%get3A_46, %get3A_47] : memref<24x16xf32, #tpu.memory_space<vmem>>, vector<24x16xf32>
      %dot_general3A_49 = arith.constant dense<0.000000e+00> : vector<1024x16xf32>
      %dot_general3A_50 = tpu.matmul %mul3A, %get3A_48, %dot_general3A_49 {dimension_numbers = #tpu.dot_dimension_numbers<[1], [0], [0], [1], [0, 0, 1, 1], [], []>, transpose_lhs_hint = false} : vector<1024x24xf32>, vector<24x16xf32>, vector<1024x16xf32> -> vector<1024x16xf32>
      %get3A_51 = arith.constant 0 : index
      %get3A_52 = arith.constant 0 : index
      %get3A_53 = vector.load %arg11[%get3A_51, %get3A_52] : memref<16x16xf32, #tpu.memory_space<vmem>>, vector<16x16xf32>
      %dot_general3A_54 = arith.constant dense<0.000000e+00> : vector<1024x16xf32>
      %dot_general3A_55 = tpu.matmul %dot_general3A_50, %get3A_53, %dot_general3A_54 {dimension_numbers = #tpu.dot_dimension_numbers<[1], [0], [0], [1], [0, 0, 1, 1], [], []>, transpose_lhs_hint = false} : vector<1024x16xf32>, vector<16x16xf32>, vector<1024x16xf32> -> vector<1024x16xf32>
      %get3A_56 = arith.constant 0 : index
      %get3A_57 = arith.constant 0 : index
      %get3A_58 = vector.load %arg13[%get3A_56, %get3A_57] : memref<8x16xf32, #tpu.memory_space<vmem>>, vector<1x16xf32>
      %add3A_59 = vector.broadcast %get3A_58 : vector<1x16xf32> to vector<1024x16xf32>
      %add3A_60 = arith.addf %dot_general3A_55, %add3A_59 : vector<1024x16xf32>
      %get3A_61 = arith.constant 0 : index
      %get3A_62 = arith.constant 0 : index
      %get3A_63 = vector.load %arg2[%get3A_61, %get3A_62] : memref<1024x16xf32, #tpu.memory_space<vmem>>, vector<1024x16xf32>
      %get3A_64 = arith.constant 0 : index
      %get3A_65 = arith.constant 0 : index
      %get3A_66 = vector.load %arg4[%get3A_64, %get3A_65] : memref<1024x1xf32, #tpu.memory_space<vmem>>, vector<1024x1xf32>
      %mul3A_67 = vector.broadcast %get3A_66 : vector<1024x1xf32> to vector<1024x16xf32>
      %mul3A_68 = arith.mulf %mul3A_67, %add3A_60 : vector<1024x16xf32>
      %add3A_69 = arith.addf %get3A_63, %mul3A_68 : vector<1024x16xf32>
      %swap3A_70 = arith.constant 0 : index
      %swap3A_71 = arith.constant 0 : index
      %swap3A_72 = vector.load %arg15[%swap3A_70, %swap3A_71] : memref<1024x16xf32, #tpu.memory_space<vmem>>, vector<1024x16xf32>
      tpu.vector_store %arg15[%swap3A_70, %swap3A_71], %add3A_69 {strides = array<i32>} : memref<1024x16xf32, #tpu.memory_space<vmem>>, vector<1024x16xf32>,
    } else {
    }
    return
  }
  func.func @transform_0(%arg0: i32, %arg1: i32) -> (i32, i32) {
    %c0_i32 = arith.constant 0 : i32
    %c0_i32_0 = arith.constant 0 : i32
    return %arg0, %c0_i32 : i32, i32
  }
  func.func @transform_1(%arg0: i32, %arg1: i32) -> (i32, i32) {
    %c0_i32 = arith.constant 0 : i32
    %c0_i32_0 = arith.constant 0 : i32
    return %arg0, %c0_i32 : i32, i32
  }
  func.func @transform_2(%arg0: i32, %arg1: i32) -> (i32, i32) {
    %c0_i32 = arith.constant 0 : i32
    %c0_i32_0 = arith.constant 0 : i32
    return %arg0, %c0_i32 : i32, i32
  }
  func.func @transform_3(%arg0: i32, %arg1: i32) -> (i32, i32) {
    %c0_i32 = arith.constant 0 : i32
    %c0_i32_0 = arith.constant 0 : i32
    return %c0_i32, %arg1 : i32, i32
  }
  func.func @transform_4(%arg0: i32, %arg1: i32) -> (i32, i32) {
    %c0_i32 = arith.constant 0 : i32
    %c0_i32_0 = arith.constant 0 : i32
    %c0_i32_1 = arith.constant 0 : i32
    return %c0_i32, %c0_i32_0 : i32, i32
  }
  func.func @transform_5(%arg0: i32, %arg1: i32) -> (i32, i32) {
    %c0_i32 = arith.constant 0 : i32
    %c0_i32_0 = arith.constant 0 : i32
    %c0_i32_1 = arith.constant 0 : i32
    return %c0_i32, %c0_i32_0 : i32, i32
  }
  func.func @transform_6(%arg0: i32, %arg1: i32) -> (i32, i32) {
    %c0_i32 = arith.constant 0 : i32
    %c0_i32_0 = arith.constant 0 : i32
    %c0_i32_1 = arith.constant 0 : i32
    return %c0_i32, %c0_i32_0 : i32, i32
  }
  func.func @transform_7(%arg0: i32, %arg1: i32) -> (i32, i32) {
    %c0_i32 = arith.constant 0 : i32
    %c0_i32_0 = arith.constant 0 : i32
    %c0_i32_1 = arith.constant 0 : i32
    return %c0_i32, %c0_i32_0 : i32, i32
  }
  func.func @transform_8(%arg0: i32, %arg1: i32) -> (i32, i32) {
    %c0_i32 = arith.constant 0 : i32
    %c0_i32_0 = arith.constant 0 : i32
    %c0_i32_1 = arith.constant 0 : i32
    return %c0_i32, %c0_i32_0 : i32, i32
  }
  func.func @transform_9(%arg0: i32, %arg1: i32) -> (i32, i32) {
    %c0_i32 = arith.constant 0 : i32
    %c0_i32_0 = arith.constant 0 : i32
    %c0_i32_1 = arith.constant 0 : i32
    return %c0_i32, %c0_i32_0 : i32, i32
  }
  func.func @transform_10(%arg0: i32, %arg1: i32) -> (i32, i32) {
    %c0_i32 = arith.constant 0 : i32
    %c0_i32_0 = arith.constant 0 : i32
    %c0_i32_1 = arith.constant 0 : i32
    return %c0_i32, %c0_i32_0 : i32, i32
  }
  func.func @transform_11(%arg0: i32, %arg1: i32) -> (i32, i32) {
    %c0_i32 = arith.constant 0 : i32
    %c0_i32_0 = arith.constant 0 : i32
    %c0_i32_1 = arith.constant 0 : i32
    return %c0_i32, %c0_i32_0 : i32, i32
  }
  func.func @transform_12(%arg0: i32, %arg1: i32) -> (i32, i32) {
    %c0_i32 = arith.constant 0 : i32
    %c0_i32_0 = arith.constant 0 : i32
    %c0_i32_1 = arith.constant 0 : i32
    return %c0_i32, %c0_i32_0 : i32, i32
  }
  func.func @transform_13(%arg0: i32, %arg1: i32) -> (i32, i32) {
    %c0_i32 = arith.constant 0 : i32
    %c0_i32_0 = arith.constant 0 : i32
    return %arg0, %c0_i32 : i32, i32
  }
}

</mosaic_0001>

<sc_bundles>
// kernel: kernel.5.cloned.1.call-start
scs
__scs_entry_jumppad:
0x0: {  	(pc) =	sbr.rel $0x88, $3  }
0x1: {  	(tag) =	ssettag $0x0;
	lr =	simm.s32 $0x1  }
0x2: {  	[smem:$0x3F98] =	sst lr;
	_ =	strace $0xD0000000  }
0x3: {  	_ = 	snop  }
0x4: {  	_ = 	snop  }
0x5: {  	_ = 	snop  }
0x6: {  	_ = 	snop  }
0x7: {  	_ = 	snop  }
__scs_overlays_trampoline_lowered:
0x8: {  	[smem:$0x3FA7] =	sst s0  }
0x9: {  	[smem:$0x3FA8] =	sst s1  }
0xa: {  	[smem:$0x3FA9] =	sst s2  }
0xb: {  	[smem:$0x3FAA] =	sst s3  }
0xc: {  	[smem:$0x3FAB] =	sst s4  }
0xd: {  	[smem:$0x3FAC] =	sst s5  }
0xe: {  	[smem:$0x3FAD] =	sst s6  }
0xf: {  	[smem:$0x3FAE] =	sst s7  }
0x10: {  	[smem:$0x3FAF] =	sst s8  }
0x11: {  	[smem:$0x3FB0] =	sst s9;
	s0 =	simm.s32 @!p0 $0x0  }
0x12: {  	s1 =	sld [smem:$0x3F96];
	s0 =	simm.s32 @p0 $0x1  }
0x13: {  	[smem:$0x3FB1] =	sst s0;
	s0 =	simm.s32 @!p1 $0x0  }
0x14: {  	s2 =	sld [smem:$0x3F95];
	s0 =	simm.s32 @p1 $0x1  }
0x15: {  	[smem:$0x3FB2] =	sst s0;
	s0 =	simm.s32 @!p2 $0x0  }
0x16: {  	s3 =	sld [smem:$0x3FDB];
	s0 =	simm.s32 @p2 $0x1  }
0x17: {  	s4 =	simm.s32 $0x1BF5;
	[smem:$0x3FB4] =	sst s0  }
0x18: {  	s0 =	sld [smem:$0x3F97];
	_ =	swait.ge [sflag:s4], $0x0  }
0x19: {  	s7 =	sld [smem:$0x3F98]  }
0x1a: {  	s8 =	sadd.s32 $0xFFFFE003, lr  }
0x1b: {  	s9 =	sadd.s32 $0xFFFFFEF7, lr;
	s5 =	simm.s32 $0xFFFFFFFF;
	p2 =	slt.u32 s8, $0xFFFFF086  }
0x1c: {  	p1 =	slt.u32 s9, $0xF7A;
	s5 =	simm.s32 @!p2 $0x0  }
0x1d: {  	s5 =	simm.s32 @p1 $0x1;
	p0 =	seq.s32 s7, s2  }
0x1e: {  	s7 =	smul.u32 @!p0 $0xF7A, s2;
	p2 =	seq.s32 @!p0 s5, $0x0  }
0x1f: {  	s9 =	smul.u32 $0xF7A, s1;
	s8 =	simm.s32 @!p0 $0x1BF5;
	p2 =	por !p2, p0  }
0x20: {  	[sflag:s8] =	ssyncset.s32 @!p0 $0xFFFFF086;
	s6 =	sadd.s32 @!p0 s3, s7;
	s7 =	simm.s32 @!p0 $0x108  }
0x21: {  	s3 =	sadd.s32 s3, s9;
	s6 =	sadd.s32 @!p0 $0x88, s6;
	s7 =	simm.s32 @p2 $0x1082  }
0x22: {  	[simem:s7], [sflag:s8] =	dma.local @!p0 [hbm:s6], $0xF7A  }
0x23: {  	s9 =	sor.u32 $0xD0000000, s2;
	s6 =	simm.s32 $0x108;
	_ =	swait.ge @!p0 [sflag:s8], $0x0  }
0x24: {  	s3 =	sadd.s32 $0x88, s3;
	s6 =	simm.s32 @!p1 $0x1082;
	[sflag:s4] =	ssyncset.s32 $0xFFFFF086  }
0x25: {  	[simem:s6], [sflag:s4] =	dma.local [hbm:s3], $0xF7A  }
0x26: {  	[smem:$0x3F98] =	sst s1;
	(tag) =	ssettag s2;
	_ =	strace s9  }
0x27: {  	s1 =	sld [smem:$0x3FA8]  }
0x28: {  	s2 =	sld [smem:$0x3FA9]  }
0x29: {  	s4 =	sld [smem:$0x3FAB]  }
0x2a: {  	p0 =	seq.s32 s5, $0x0;
	s5 =	sld [smem:$0x3FAC]  }
0x2b: {  	s6 =	sld [smem:$0x3FAD]  }
0x2c: {  	s7 =	sld [smem:$0x3FAE]  }
0x2d: {  	s3 =	simm.s32 $0x108;
	s8 =	sld [smem:$0x3FAF]  }
0x2e: {  	s3 =	simm.s32 @!p0 $0x1082;
	s9 =	sld [smem:$0x3FB0]  }
0x2f: {  	lr =	sadd.s32 s0, s3;
	s0 =	sld [smem:$0x3FA7]  }
0x30: {  	s3 =	sld [smem:$0x3FAA]  }
0x31: {  	[smem:$0x3FB3] =	sst s10  }
0x32: {  	s10 =	sld [smem:$0x3FB1];
	_ =	sdelay $0x3  }
0x33: {  	p0 =	seq.s32 s10, $0x1;
	s10 =	sld [smem:$0x3FB3];
	_ =	sdelay $0x3  }
0x34: {  	[smem:$0x3FB3] =	sst s10  }
0x35: {  	s10 =	sld [smem:$0x3FB2];
	_ =	sdelay $0x3  }
0x36: {  	p1 =	seq.s32 s10, $0x1;
	s10 =	sld [smem:$0x3FB3];
	_ =	sdelay $0x3  }
0x37: {  	[smem:$0x3FB3] =	sst s10  }
0x38: {  	s10 =	sld [smem:$0x3FB4]  }
0x39: {  	_ = 	snop;
	(pc) =	sbr.ind lr, $3  }
0x3a: {  	_ = 	snop  }
0x3b: {  	_ = 	snop  }
0x3c: {  	p2 =	seq.s32 s10, $0x1;
	s10 =	sld [smem:$0x3FB3]  }
0x3d: {  	_ =	shalt  }
0x3e: {  	_ =	shalt  }
0x3f: {  	_ =	shalt  }
0x40: {  	_ =	shalt  }
0x41: {  	_ =	shalt  }
0x42: {  	_ =	shalt  }
0x43: {  	_ =	shalt  }
0x44: {  	_ =	shalt  }
0x45: {  	_ =	shalt  }
0x46: {  	_ =	shalt  }
0x47: {  	_ =	shalt  }
0x48: {  	_ =	shalt  }
0x49: {  	_ =	shalt  }
0x4a: {  	_ =	shalt  }
0x4b: {  	_ =	shalt  }
0x4c: {  	_ =	shalt  }
0x4d: {  	_ =	shalt  }
0x4e: {  	_ =	shalt  }
0x4f: {  	_ =	shalt  }
0x50: {  	_ =	shalt  }
0x51: {  	_ =	shalt  }
0x52: {  	_ =	shalt  }
0x53: {  	_ =	shalt  }
0x54: {  	_ =	shalt  }
0x55: {  	_ =	shalt  }
0x56: {  	_ =	shalt  }
0x57: {  	_ =	shalt  }
0x58: {  	_ =	shalt  }
0x59: {  	_ =	shalt  }
0x5a: {  	_ =	shalt  }
0x5b: {  	_ =	shalt  }
0x5c: {  	_ =	shalt  }
0x5d: {  	_ =	shalt  }
0x5e: {  	_ =	shalt  }
0x5f: {  	_ =	shalt  }
0x60: {  	_ =	shalt  }
0x61: {  	_ =	shalt  }
0x62: {  	_ =	shalt  }
0x63: {  	_ =	shalt  }
0x64: {  	_ =	shalt  }
0x65: {  	_ =	shalt  }
0x66: {  	_ =	shalt  }
0x67: {  	_ =	shalt  }
0x68: {  	_ =	shalt  }
0x69: {  	_ =	shalt  }
0x6a: {  	_ =	shalt  }
0x6b: {  	_ =	shalt  }
0x6c: {  	_ =	shalt  }
0x6d: {  	_ =	shalt  }
0x6e: {  	_ =	shalt  }
0x6f: {  	_ =	shalt  }
0x70: {  	_ =	shalt  }
0x71: {  	_ =	shalt  }
0x72: {  	_ =	shalt  }
0x73: {  	_ =	shalt  }
0x74: {  	_ =	shalt  }
0x75: {  	_ =	shalt  }
0x76: {  	_ =	shalt  }
0x77: {  	_ =	shalt  }
0x78: {  	_ =	shalt  }
0x79: {  	_ =	shalt  }
0x7a: {  	_ =	shalt  }
0x7b: {  	_ =	shalt  }
0x7c: {  	_ =	shalt  }
0x7d: {  	_ =	shalt  }
0x7e: {  	_ =	shalt  }
0x7f: {  	_ =	shalt  }
0x80: {  	_ =	shalt  }
0x81: {  	_ =	shalt  }
0x82: {  	_ =	shalt  }
0x83: {  	_ =	shalt  }
0x84: {  	_ =	shalt  }
0x85: {  	_ =	shalt  }
0x86: {  	_ =	shalt  }
0x87: {  	_ =	shalt  }
.Lfunc_end0:
.L_simem_size_0:
called_computation_lowered:
.L_overlay_start_0:
0x88: {  	s2 =	sld [smem:$0x3FD9]  }
0x89: {  	s3 =	sld [smem:$0x3FFE];
	_ =	sdelay $0x1  }
0x8a: {  	s1 =	srdreg.scid  }
0x8b: {  	s0 =	sand.u32 $0x1, s1  }
0x8c: {  	s14 =	sshll.u32 s0, $0xA;
	s2 =	sadd.s32 s3, s2  }
0x8d: {  	s2 =	sadd.s32 s2, s14  }
0x8e: {  	[smem:$0x3FBF] =	sst s2  }
0x8f: {  	_ = 	snop  }
0x90: {  	s2 =	sld [smem:$0x3FD0];
	_ =	sdelay $0x2  }
0x91: {  	s15 =	simm.s32 $0xA;
	s4 =	simm.s32 $0x10  }
0x92: {  	[smem:s4], [sflag:s15] =	dma.local [hbm:s2], $0x1  }
0x93: {  	_ =	swait.eq [sflag:s15], $0x1  }
0x94: {  	[sflag:s15] =	ssyncset.done $0x0  }
0x95: {  	s16 =	sld [smem:$0x10];
	[sflag:s15] =	ssyncadd.s32 $0xFFFFFFFF  }
0x96: {  	s17 =	sld [smem:$0x11];
	(tm) =	ssettm $0x1  }
0x97: {  	s18 =	sld [smem:$0x3FFB];
	_ =	sdelay $0x3  }
0x98: {  	_ =	strace s18  }
0x99: {  	s4 =	sld [smem:$0x3FFC];
	_ =	sdelay $0x3  }
0x9a: {  	_ =	strace s4  }
0x9b: {  	s4 =	sld [smem:$0x3FFD];
	_ =	sdelay $0x3  }
0x9c: {  	_ =	strace s4  }
0x9d: {  	_ =	strace $0x8FFFFFFF  }
0x9e: {  	s19 =	sld [smem:$0x3FDB];
	_ =	sdelay $0x1  }
0x9f: {  	s5 =	simm.s32 $_scs_section_size  }
0xa0: {  	s6 =	simm.s32 $_size__tile_overlayer_lowered;
	s7 =	simm.s32 $_tile_overlayer_lowered  }
0xa1: {  	s22 =	simm.s32 $0x1BFF;
	s21 =	sshll.u32 s7, $0x1;
	s4 =	sadd.s32 s5, s19  }
0xa2: {  	s8 =	simm.s32 $0x0;
	s20 =	sshll.u32 s6, $0x1;
	s6 =	sadd.s32 s21, s4  }
0xa3: {  	[timem:s8], [sflag:s22] =	dma.local [hbm:s6], s20  }
0xa4: {  	_ =	swait.ge [sflag:s22], s20  }
0xa5: {  	s5 =	ssub.s32 $0x0, s20;
	[sflag:s22] =	ssyncset.done $0x0  }
0xa6: {  	[sflag:s22] =	ssyncadd.s32 s5;
	_ =	sdelay $0x1  }
0xa7: {  	s23 =	simm.s32 $0x1B8B  }
0xa8: {  	_ =	swait.ge [sflag:s23], $0x1  }
0xa9: {  	[sflag:s23] =	ssyncset.done $0x0  }
0xaa: {  	s25 =	simm.s32 $0x1B8E;
	s24 =	sld [smem:$0x3FFE];
	[sflag:s23] =	ssyncadd.s32 $0xFFFFFFFF  }
0xab: {  	s26 =	simm.s32 $execute0_lowered;
	[smem:$0x3FD2] =	sst s25  }
0xac: {  	s6 =	sshll.u32 s26, $0x1;
	_ =	strace $0x80000046;
	[dreg:$0x1] =	wrdreg $0xFFFFFFFF  }
0xad: {  	s28 =	simm.s32 $_size_execute0_lowered;
	s4 =	sadd.s32 s4, s6;
	[dreg:$0x0] =	wrdreg $0x0  }
0xae: {  	s6 =	sshll.u32 s28, $0x1;
	[dreg:$0x2] =	wrdreg s4  }
0xaf: {  	[dreg:$0x3] =	wrdreg s6  }
0xb0: {  	[dreg:$0x4] =	wrdreg $0xC0  }
0xb1: {  	_ =	task [dreg:s8], $0x5FFFF  }
0xb2: {  	[dreg:$0x1] =	wrdreg $0xFFFFFFFF  }
0xb3: {  	[dreg:$0x0] =	wrdreg $0x60  }
0xb4: {  	[dreg:$0x2] =	wrdreg s17  }
0xb5: {  	[dreg:$0x3] =	wrdreg s16  }
0xb6: {  	[dreg:$0x4] =	wrdreg s24  }
0xb7: {  	[dreg:$0x5] =	wrdreg $0x9  }
0xb8: {  	_ =	task.clear_ibuf [dreg:s8], $0x6FFFF;
	_ =	strace $0x90000046  }
0xb9: {  	s29 =	simm.s32 $0x9;
	_ =	strace $0x80000048  }
0xba: {  	_ =	swait.ge [sflag:s29], $0x1  }
0xbb: {  	[sflag:s29] =	ssyncadd.s32 $0xFFFFFFFF  }
0xbc: {  	_ =	strace $0x90000048  }
0xbd: {  	_ =	sfence  }
0xbe: {  	s30 =	sld [smem:$0x0];
	_ =	sdelay $0x2  }
0xbf: {  	s31 =	sshll.u32 s1, $0xD;
	s1 =	sshrl.u32 s1, $0x2  }
0xc0: {  	s3 =	sand.u32 $0x4000, s31;
	s1 =	sadd.s32 s1, s30  }
0xc1: {  	s0 =	sor.u32 s3, s0;
	s1 =	sshll.u32 s1, $0x11  }
0xc2: {  	s0 =	sor.u32 s1, s0  }
0xc3: {  	s0 =	sadd.s32 $0x8F2B, s0  }
0xc4: {  	[sflag:s0] =	ssyncadd.remote.s32 $0x1  }
0xc5: {  	_ =	sfence.sel $0xFFFF  }
0xc6: {  	[dreg:$0x0] =	wrdreg $0xFFFFFFFF;
	(pc) =	sbr.abs _section_cstart, $3  }
0xc7: {  	[dreg:$0x1] =	wrdreg $0xFFFFFFFF  }
0xc8: {  	_ =	task.clear_ibuf [dreg:s8], $0x2FFFF;
	_ =	strace $0x9FFFFFFF  }
0xc9: {  	(tm) =	ssettm $0x7FFFFFFF  }
tec
execute0_lowered:
.L_overlay_start_1:
0x0: {  	(tag) =	ssettag $0x1  }
0x1: {  	s5 =	rddreg [dreg:$0x0]  }
0x2: {  	s0 =	rddreg [dreg:$0x1];
	s1 =	srdreg.scid  }
0x3: {  	s2 =	stileid.u32;
	s3 =	rddreg [dreg:$0x2]  }
0x4: {  	s7 =	simm.s32 $0x80;
	s8 =	simm.s32 $0x700;
	s9 =	simm.s32 $0x100  }
0x5: {  	s10 =	simm.s32 $0x780;
	s11 =	simm.s32 $0x180;
	s12 =	simm.s32 $0x800  }
0x6: {  	s13 =	simm.s32 $0x200;
	s14 =	simm.s32 $0x880;
	s15 =	simm.s32 $0x280  }
0x7: {  	s16 =	simm.s32 $0x900;
	s17 =	simm.s32 $0x300;
	s18 =	simm.s32 $0x980  }
0x8: {  	s19 =	simm.s32 $0x380;
	s20 =	simm.s32 $0xA00;
	s21 =	simm.s32 $0x400  }
0x9: {  	s22 =	simm.s32 $0xA80;
	s1 =	sand.u32 $0x1, s1;
	s4 =	sshll.u32 s2, $0x1  }
0xa: {  	s23 =	simm.s32 $0x480;
	s4 =	sor.u32 s1, s4;
	s1 =	ssub.s32 $0x2, s1  }
0xb: {  	s24 =	simm.s32 $0xB00;
	p0 =	por $0x0, $0x0;
	s6 =	sshrl.u32 s1, $0x1  }
0xc: {  	s28 =	simm.s32 $0x580;
	s29 =	simm.s32 $0xC00;
	s1 =	ssub.s32 s1, s6  }
0xd: {  	s30 =	simm.s32 $0x600;
	s2 =	simm.s32 $0x0;
	s26 =	smax.u32 s1, $0x1  }
0xe: {  	[smem:$0x7FF] =	sst s2;
	s4 =	smul.u32 $0xD0, s4;
	p1 =	sne.s32 s26, $0x1  }
.Ltmp0:
0xf: {  	s31 =	simm.s32 $0xC80;
	_ =	strace $0x80000047;
	(pc) =	sbr.rel @!p1 .LBB2_3-.Ltmp0, $4  }
0x10: {  	s6 =	simm.s32 $0x1;
	s3 =	sadd.s32 s4, s3;
	s0 =	sadd.s32 s0, s4  }
0x11: {  	s4 =	simm.s32 $0x680;
	[dreg:$0x4] =	wrdreg s0;
	s25 =	sadd.s32 $0x2200, s3  }
0x12: {  	s3 =	simm.s32 $0x2;
	s1 =	sadd.s32 $0xFFFFFFFF, s26;
	[dreg:$0x5] =	wrdreg s25  }
0x13: {  	s26 =	simm.s32 $0xB80;
	s25 =	simm.s32 $0x500;
	s0 =	rddreg [dreg:$0x4]  }
0x14: {  	[tilespmem:s2], [sflag:$0x2] =	stream.linear.gather [hbm4b:s0+s2], $0x680, $0x38;
	[tilespmem:$0xD00] =	vst v63  }
0x15: {  	_ =	swait.ge [sflag:s3], $0x680  }
0x16: {  	[sflag:s3] =	ssyncset.done $0x0  }
0x17: {  	[sflag:s3] =	ssyncadd.s32 $0xFFFFF980  }
0x18: {  	[tilespmem:s4], [sflag:$0x1] =	stream.indirect.gather [hbm4b:s5+s7], $0x1, s2, s7, $0xb8;
	[tilespmem:$0xD00] =	vst v63  }
0x19: {  	_ = 	snop  }
0x1a: {  	[tilespmem:s8], [sflag:$0x1] =	stream.indirect.gather [hbm4b:s5+s7], $0x1, s7, s7, $0xb8;
	[tilespmem:$0xD00] =	vst v63  }
0x1b: {  	_ = 	snop  }
0x1c: {  	[tilespmem:s10], [sflag:$0x1] =	stream.indirect.gather [hbm4b:s5+s7], $0x1, s9, s7, $0xb8;
	[tilespmem:$0xD00] =	vst v63  }
0x1d: {  	_ = 	snop  }
0x1e: {  	[tilespmem:s12], [sflag:$0x1] =	stream.indirect.gather [hbm4b:s5+s7], $0x1, s11, s7, $0xb8;
	[tilespmem:$0xD00] =	vst v63  }
0x1f: {  	_ = 	snop  }
0x20: {  	[tilespmem:s14], [sflag:$0x1] =	stream.indirect.gather [hbm4b:s5+s7], $0x1, s13, s7, $0xb8;
	[tilespmem:$0xD00] =	vst v63  }
0x21: {  	_ = 	snop  }
0x22: {  	[tilespmem:s16], [sflag:$0x1] =	stream.indirect.gather [hbm4b:s5+s7], $0x1, s15, s7, $0xb8;
	[tilespmem:$0xD00] =	vst v63  }
0x23: {  	_ = 	snop  }
0x24: {  	[tilespmem:s18], [sflag:$0x1] =	stream.indirect.gather [hbm4b:s5+s7], $0x1, s17, s7, $0xb8;
	[tilespmem:$0xD00] =	vst v63  }
0x25: {  	_ = 	snop  }
0x26: {  	[tilespmem:s20], [sflag:$0x1] =	stream.indirect.gather [hbm4b:s5+s7], $0x1, s19, s7, $0xb8;
	[tilespmem:$0xD00] =	vst v63  }
0x27: {  	_ = 	snop  }
0x28: {  	[tilespmem:s22], [sflag:$0x1] =	stream.indirect.gather [hbm4b:s5+s7], $0x1, s21, s7, $0xb8;
	[tilespmem:$0xD00] =	vst v63  }
0x29: {  	_ = 	snop  }
0x2a: {  	[tilespmem:s24], [sflag:$0x1] =	stream.indirect.gather [hbm4b:s5+s7], $0x1, s23, s7, $0xb8;
	[tilespmem:$0xD00] =	vst v63  }
0x2b: {  	_ = 	snop  }
0x2c: {  	[tilespmem:s26], [sflag:$0x1] =	stream.indirect.gather [hbm4b:s5+s7], $0x1, s25, s7, $0xb8;
	[tilespmem:$0xD00] =	vst v63  }
0x2d: {  	_ = 	snop  }
0x2e: {  	[tilespmem:s29], [sflag:$0x1] =	stream.indirect.gather [hbm4b:s5+s7], $0x1, s28, s7, $0xb8;
	[tilespmem:$0xD00] =	vst v63  }
0x2f: {  	_ = 	snop  }
0x30: {  	[tilespmem:s31], [sflag:$0x1] =	stream.indirect.gather [hbm4b:s5+s7], $0x1, s30, s7, $0xb8;
	[tilespmem:$0xD00] =	vst v63  }
0x31: {  	_ =	swait.ge [sflag:s6], $0x80  }
0x32: {  	[sflag:s6] =	ssyncset.done $0x0  }
0x33: {  	[sflag:s6] =	ssyncadd.s32 $0xFFFFFF80  }
0x34: {  	_ =	swait.ge [sflag:s6], $0x80  }
0x35: {  	[sflag:s6] =	ssyncset.done $0x0  }
0x36: {  	[sflag:s6] =	ssyncadd.s32 $0xFFFFFF80  }
0x37: {  	_ =	swait.ge [sflag:s6], $0x80  }
0x38: {  	[sflag:s6] =	ssyncset.done $0x0  }
0x39: {  	[sflag:s6] =	ssyncadd.s32 $0xFFFFFF80  }
0x3a: {  	_ =	swait.ge [sflag:s6], $0x80  }
0x3b: {  	[sflag:s6] =	ssyncset.done $0x0  }
0x3c: {  	[sflag:s6] =	ssyncadd.s32 $0xFFFFFF80  }
0x3d: {  	_ =	swait.ge [sflag:s6], $0x80  }
0x3e: {  	[sflag:s6] =	ssyncset.done $0x0  }
0x3f: {  	[sflag:s6] =	ssyncadd.s32 $0xFFFFFF80  }
0x40: {  	_ =	swait.ge [sflag:s6], $0x80  }
0x41: {  	[sflag:s6] =	ssyncset.done $0x0  }
0x42: {  	[sflag:s6] =	ssyncadd.s32 $0xFFFFFF80  }
0x43: {  	_ =	swait.ge [sflag:s6], $0x80  }
0x44: {  	[sflag:s6] =	ssyncset.done $0x0  }
0x45: {  	[sflag:s6] =	ssyncadd.s32 $0xFFFFFF80  }
0x46: {  	_ =	swait.ge [sflag:s6], $0x80  }
0x47: {  	[sflag:s6] =	ssyncset.done $0x0  }
0x48: {  	[sflag:s6] =	ssyncadd.s32 $0xFFFFFF80  }
0x49: {  	_ =	swait.ge [sflag:s6], $0x80  }
0x4a: {  	[sflag:s6] =	ssyncset.done $0x0  }
0x4b: {  	[sflag:s6] =	ssyncadd.s32 $0xFFFFFF80  }
0x4c: {  	_ =	swait.ge [sflag:s6], $0x80  }
0x4d: {  	[sflag:s6] =	ssyncset.done $0x0  }
0x4e: {  	[sflag:s6] =	ssyncadd.s32 $0xFFFFFF80  }
0x4f: {  	_ =	swait.ge [sflag:s6], $0x80  }
0x50: {  	[sflag:s6] =	ssyncset.done $0x0  }
0x51: {  	[sflag:s6] =	ssyncadd.s32 $0xFFFFFF80  }
0x52: {  	_ =	swait.ge [sflag:s6], $0x80  }
0x53: {  	[sflag:s6] =	ssyncset.done $0x0  }
0x54: {  	[sflag:s6] =	ssyncadd.s32 $0xFFFFFF80  }
0x55: {  	p1 =	sne.s32 s1, $0x1;
	_ =	swait.ge [sflag:s6], $0x80  }
.Ltmp1:
0x56: {  	[sflag:s6] =	ssyncset.done $0x0;
	(pc) =	sbr.rel @!p1 .LBB2_3-.Ltmp1, $4  }
0x57: {  	s0 =	rddreg [dreg:$0x5];
	[sflag:s6] =	ssyncadd.s32 $0xFFFFFF80  }
0x58: {  	[hbm4b:s0+s2] =	stream.linear.scatter [tilespmem:s4], [sflag:$0x2], $0x680, $0x38;
	[tilespmem:$0xD00] =	vst v63  }
0x59: {  	s1 =	sadd.s32 $0xFFFFFFFF, s1;
	_ =	swait.ge [sflag:s3], $0x680  }
0x5a: {  	p0 =	por $0x1, $0x1;
	s0 =	rddreg [dreg:$0x4];
	[sflag:s3] =	ssyncset.done $0x0  }
.LBB2_2:
0x5b: {  	[sflag:s3] =	ssyncadd.s32 $0xFFFFF980  }
0x5c: {  	[tilespmem:s2], [sflag:$0x2] =	stream.linear.gather [hbm4b:s0+s2], $0x680, $0x38;
	[tilespmem:$0xD00] =	vst v63  }
0x5d: {  	_ =	swait.ge [sflag:s3], $0x680  }
0x5e: {  	[sflag:s3] =	ssyncset.done $0x0  }
0x5f: {  	[sflag:s3] =	ssyncadd.s32 $0xFFFFF980  }
0x60: {  	[tilespmem:s4], [sflag:$0x1] =	stream.indirect.gather [hbm4b:s5+s7], $0x1, s2, s7, $0xb8;
	[tilespmem:$0xD00] =	vst v63  }
0x61: {  	_ = 	snop  }
0x62: {  	[tilespmem:s8], [sflag:$0x1] =	stream.indirect.gather [hbm4b:s5+s7], $0x1, s7, s7, $0xb8;
	[tilespmem:$0xD00] =	vst v63  }
0x63: {  	_ = 	snop  }
0x64: {  	[tilespmem:s10], [sflag:$0x1] =	stream.indirect.gather [hbm4b:s5+s7], $0x1, s9, s7, $0xb8;
	[tilespmem:$0xD00] =	vst v63  }
0x65: {  	_ = 	snop  }
0x66: {  	[tilespmem:s12], [sflag:$0x1] =	stream.indirect.gather [hbm4b:s5+s7], $0x1, s11, s7, $0xb8;
	[tilespmem:$0xD00] =	vst v63  }
0x67: {  	_ = 	snop  }
0x68: {  	[tilespmem:s14], [sflag:$0x1] =	stream.indirect.gather [hbm4b:s5+s7], $0x1, s13, s7, $0xb8;
	[tilespmem:$0xD00] =	vst v63  }
0x69: {  	_ = 	snop  }
0x6a: {  	[tilespmem:s16], [sflag:$0x1] =	stream.indirect.gather [hbm4b:s5+s7], $0x1, s15, s7, $0xb8;
	[tilespmem:$0xD00] =	vst v63  }
0x6b: {  	_ = 	snop  }
0x6c: {  	[tilespmem:s18], [sflag:$0x1] =	stream.indirect.gather [hbm4b:s5+s7], $0x1, s17, s7, $0xb8;
	[tilespmem:$0xD00] =	vst v63  }
0x6d: {  	_ = 	snop  }
0x6e: {  	[tilespmem:s20], [sflag:$0x1] =	stream.indirect.gather [hbm4b:s5+s7], $0x1, s19, s7, $0xb8;
	[tilespmem:$0xD00] =	vst v63  }
0x6f: {  	_ = 	snop  }
0x70: {  	[tilespmem:s22], [sflag:$0x1] =	stream.indirect.gather [hbm4b:s5+s7], $0x1, s21, s7, $0xb8;
	[tilespmem:$0xD00] =	vst v63  }
0x71: {  	_ = 	snop  }
0x72: {  	[tilespmem:s24], [sflag:$0x1] =	stream.indirect.gather [hbm4b:s5+s7], $0x1, s23, s7, $0xb8;
	[tilespmem:$0xD00] =	vst v63  }
0x73: {  	_ = 	snop  }
0x74: {  	[tilespmem:s26], [sflag:$0x1] =	stream.indirect.gather [hbm4b:s5+s7], $0x1, s25, s7, $0xb8;
	[tilespmem:$0xD00] =	vst v63  }
0x75: {  	_ = 	snop  }
0x76: {  	[tilespmem:s29], [sflag:$0x1] =	stream.indirect.gather [hbm4b:s5+s7], $0x1, s28, s7, $0xb8;
	[tilespmem:$0xD00] =	vst v63  }
0x77: {  	_ = 	snop  }
0x78: {  	[tilespmem:s31], [sflag:$0x1] =	stream.indirect.gather [hbm4b:s5+s7], $0x1, s30, s7, $0xb8;
	[tilespmem:$0xD00] =	vst v63  }
0x79: {  	_ =	swait.ge [sflag:s6], $0x80  }
0x7a: {  	[sflag:s6] =	ssyncset.done $0x0  }
0x7b: {  	[sflag:s6] =	ssyncadd.s32 $0xFFFFFF80  }
0x7c: {  	_ =	swait.ge [sflag:s6], $0x80  }
0x7d: {  	[sflag:s6] =	ssyncset.done $0x0  }
0x7e: {  	[sflag:s6] =	ssyncadd.s32 $0xFFFFFF80  }
0x7f: {  	_ =	swait.ge [sflag:s6], $0x80  }
0x80: {  	[sflag:s6] =	ssyncset.done $0x0  }
0x81: {  	[sflag:s6] =	ssyncadd.s32 $0xFFFFFF80  }
0x82: {  	_ =	swait.ge [sflag:s6], $0x80  }
0x83: {  	[sflag:s6] =	ssyncset.done $0x0  }
0x84: {  	[sflag:s6] =	ssyncadd.s32 $0xFFFFFF80  }
0x85: {  	_ =	swait.ge [sflag:s6], $0x80  }
0x86: {  	[sflag:s6] =	ssyncset.done $0x0  }
0x87: {  	[sflag:s6] =	ssyncadd.s32 $0xFFFFFF80  }
0x88: {  	_ =	swait.ge [sflag:s6], $0x80  }
0x89: {  	[sflag:s6] =	ssyncset.done $0x0  }
0x8a: {  	[sflag:s6] =	ssyncadd.s32 $0xFFFFFF80  }
0x8b: {  	_ =	swait.ge [sflag:s6], $0x80  }
0x8c: {  	[sflag:s6] =	ssyncset.done $0x0  }
0x8d: {  	[sflag:s6] =	ssyncadd.s32 $0xFFFFFF80  }
0x8e: {  	_ =	swait.ge [sflag:s6], $0x80  }
0x8f: {  	[sflag:s6] =	ssyncset.done $0x0  }
0x90: {  	[sflag:s6] =	ssyncadd.s32 $0xFFFFFF80  }
0x91: {  	_ =	swait.ge [sflag:s6], $0x80  }
0x92: {  	[sflag:s6] =	ssyncset.done $0x0  }
0x93: {  	[sflag:s6] =	ssyncadd.s32 $0xFFFFFF80  }
0x94: {  	_ =	swait.ge [sflag:s6], $0x80  }
0x95: {  	[sflag:s6] =	ssyncset.done $0x0  }
0x96: {  	[sflag:s6] =	ssyncadd.s32 $0xFFFFFF80  }
0x97: {  	_ =	swait.ge [sflag:s6], $0x80  }
0x98: {  	[sflag:s6] =	ssyncset.done $0x0  }
0x99: {  	[sflag:s6] =	ssyncadd.s32 $0xFFFFFF80  }
0x9a: {  	_ =	swait.ge [sflag:s6], $0x80  }
0x9b: {  	[sflag:s6] =	ssyncset.done $0x0  }
0x9c: {  	[sflag:s6] =	ssyncadd.s32 $0xFFFFFF80  }
0x9d: {  	p1 =	sne.s32 s1, $0x1;
	_ =	swait.ge [sflag:s6], $0x80  }
.Ltmp2:
0x9e: {  	[sflag:s6] =	ssyncset.done $0x0;
	(pc) =	sbr.rel @p1 .LBB2_2-.Ltmp2, $4  }
0x9f: {  	s0 =	rddreg [dreg:$0x5];
	[sflag:s6] =	ssyncadd.s32 $0xFFFFFF80  }
0xa0: {  	[hbm4b:s0+s2] =	stream.linear.scatter [tilespmem:s4], [sflag:$0x2], $0x680, $0x38;
	[tilespmem:$0xD00] =	vst v63  }
0xa1: {  	_ =	swait.ge [sflag:s3], $0x680  }
0xa2: {  	s1 =	sadd.s32 $0xFFFFFFFF, s1;
	s0 =	rddreg [dreg:$0x4];
	[sflag:s3] =	ssyncset.done $0x0  }
.LBB2_3:
0xa3: {  	[sflag:s3] =	ssyncadd.s32 @p0 $0xFFFFF980  }
0xa4: {  	[tilespmem:s2], [sflag:$0x2] =	stream.linear.gather [hbm4b:s0+s2], $0x680, $0x38;
	[tilespmem:$0xD00] =	vst v63  }
0xa5: {  	_ =	swait.ge [sflag:s3], $0x680  }
0xa6: {  	[sflag:s3] =	ssyncset.done $0x0  }
0xa7: {  	[sflag:s3] =	ssyncadd.s32 $0xFFFFF980  }
0xa8: {  	[tilespmem:s4], [sflag:$0x1] =	stream.indirect.gather [hbm4b:s5+s7], $0x1, s2, s7, $0xb8;
	[tilespmem:$0xD00] =	vst v63  }
0xa9: {  	_ = 	snop  }
0xaa: {  	[tilespmem:s8], [sflag:$0x1] =	stream.indirect.gather [hbm4b:s5+s7], $0x1, s7, s7, $0xb8;
	[tilespmem:$0xD00] =	vst v63  }
0xab: {  	_ = 	snop  }
0xac: {  	[tilespmem:s10], [sflag:$0x1] =	stream.indirect.gather [hbm4b:s5+s7], $0x1, s9, s7, $0xb8;
	[tilespmem:$0xD00] =	vst v63  }
0xad: {  	_ = 	snop  }
0xae: {  	[tilespmem:s12], [sflag:$0x1] =	stream.indirect.gather [hbm4b:s5+s7], $0x1, s11, s7, $0xb8;
	[tilespmem:$0xD00] =	vst v63  }
0xaf: {  	_ = 	snop  }
0xb0: {  	[tilespmem:s14], [sflag:$0x1] =	stream.indirect.gather [hbm4b:s5+s7], $0x1, s13, s7, $0xb8;
	[tilespmem:$0xD00] =	vst v63  }
0xb1: {  	_ = 	snop  }
0xb2: {  	[tilespmem:s16], [sflag:$0x1] =	stream.indirect.gather [hbm4b:s5+s7], $0x1, s15, s7, $0xb8;
	[tilespmem:$0xD00] =	vst v63  }
0xb3: {  	_ = 	snop  }
0xb4: {  	[tilespmem:s18], [sflag:$0x1] =	stream.indirect.gather [hbm4b:s5+s7], $0x1, s17, s7, $0xb8;
	[tilespmem:$0xD00] =	vst v63  }
0xb5: {  	_ = 	snop  }
0xb6: {  	[tilespmem:s20], [sflag:$0x1] =	stream.indirect.gather [hbm4b:s5+s7], $0x1, s19, s7, $0xb8;
	[tilespmem:$0xD00] =	vst v63  }
0xb7: {  	_ = 	snop  }
0xb8: {  	[tilespmem:s22], [sflag:$0x1] =	stream.indirect.gather [hbm4b:s5+s7], $0x1, s21, s7, $0xb8;
	[tilespmem:$0xD00] =	vst v63  }
0xb9: {  	_ = 	snop  }
0xba: {  	[tilespmem:s24], [sflag:$0x1] =	stream.indirect.gather [hbm4b:s5+s7], $0x1, s23, s7, $0xb8;
	[tilespmem:$0xD00] =	vst v63  }
0xbb: {  	_ = 	snop  }
0xbc: {  	[tilespmem:s26], [sflag:$0x1] =	stream.indirect.gather [hbm4b:s5+s7], $0x1, s25, s7, $0xb8;
	[tilespmem:$0xD00] =	vst v63  }
0xbd: {  	_ = 	snop  }
0xbe: {  	[tilespmem:s29], [sflag:$0x1] =	stream.indirect.gather [hbm4b:s5+s7], $0x1, s28, s7, $0xb8;
	[tilespmem:$0xD00] =	vst v63  }
0xbf: {  	_ = 	snop  }
0xc0: {  	[tilespmem:s31], [sflag:$0x1] =	stream.indirect.gather [hbm4b:s5+s7], $0x1, s30, s7, $0xb8;
	[tilespmem:$0xD00] =	vst v63  }
0xc1: {  	_ =	swait.ge [sflag:s6], $0x80  }
0xc2: {  	[sflag:s6] =	ssyncset.done $0x0  }
0xc3: {  	[sflag:s6] =	ssyncadd.s32 $0xFFFFFF80  }
0xc4: {  	_ =	swait.ge [sflag:s6], $0x80  }
0xc5: {  	[sflag:s6] =	ssyncset.done $0x0  }
0xc6: {  	[sflag:s6] =	ssyncadd.s32 $0xFFFFFF80  }
0xc7: {  	_ =	swait.ge [sflag:s6], $0x80  }
0xc8: {  	[sflag:s6] =	ssyncset.done $0x0  }
0xc9: {  	[sflag:s6] =	ssyncadd.s32 $0xFFFFFF80  }
0xca: {  	_ =	swait.ge [sflag:s6], $0x80  }
0xcb: {  	[sflag:s6] =	ssyncset.done $0x0  }
0xcc: {  	[sflag:s6] =	ssyncadd.s32 $0xFFFFFF80  }
0xcd: {  	_ =	swait.ge [sflag:s6], $0x80  }
0xce: {  	[sflag:s6] =	ssyncset.done $0x0  }
0xcf: {  	[sflag:s6] =	ssyncadd.s32 $0xFFFFFF80  }
0xd0: {  	_ =	swait.ge [sflag:s6], $0x80  }
0xd1: {  	[sflag:s6] =	ssyncset.done $0x0  }
0xd2: {  	[sflag:s6] =	ssyncadd.s32 $0xFFFFFF80  }
0xd3: {  	_ =	swait.ge [sflag:s6], $0x80  }
0xd4: {  	[sflag:s6] =	ssyncset.done $0x0  }
0xd5: {  	[sflag:s6] =	ssyncadd.s32 $0xFFFFFF80  }
0xd6: {  	_ =	swait.ge [sflag:s6], $0x80  }
0xd7: {  	[sflag:s6] =	ssyncset.done $0x0  }
0xd8: {  	[sflag:s6] =	ssyncadd.s32 $0xFFFFFF80  }
0xd9: {  	_ =	swait.ge [sflag:s6], $0x80  }
0xda: {  	[sflag:s6] =	ssyncset.done $0x0  }
0xdb: {  	[sflag:s6] =	ssyncadd.s32 $0xFFFFFF80  }
0xdc: {  	_ =	swait.ge [sflag:s6], $0x80  }
0xdd: {  	[sflag:s6] =	ssyncset.done $0x0  }
0xde: {  	[sflag:s6] =	ssyncadd.s32 $0xFFFFFF80  }
0xdf: {  	_ =	swait.ge [sflag:s6], $0x80  }
0xe0: {  	[sflag:s6] =	ssyncset.done $0x0  }
0xe1: {  	[sflag:s6] =	ssyncadd.s32 $0xFFFFFF80  }
0xe2: {  	_ =	swait.ge [sflag:s6], $0x80  }
0xe3: {  	[sflag:s6] =	ssyncset.done $0x0  }
0xe4: {  	[sflag:s6] =	ssyncadd.s32 $0xFFFFFF80  }
0xe5: {  	_ =	swait.ge [sflag:s6], $0x80  }
0xe6: {  	[sflag:s6] =	ssyncset.done $0x0  }
0xe7: {  	s30 =	rddreg [dreg:$0x5];
	[sflag:s6] =	ssyncadd.s32 $0xFFFFFF80  }
0xe8: {  	[hbm4b:s30+s2] =	stream.linear.scatter [tilespmem:s4], [sflag:$0x2], $0x680, $0x38;
	[tilespmem:$0xD00] =	vst v63  }
0xe9: {  	_ =	swait.ge [sflag:s3], $0x680  }
0xea: {  	[sflag:s3] =	ssyncset.done $0x0  }
0xeb: {  	[sflag:s3] =	ssyncadd.s32 $0xFFFFF980  }
0xec: {  	_ =	sfence.sel $0x180000  }
0xed: {  	[bflag:$0x0] =	sbarrier.arrive $0xFFFF  }
0xee: {  	_ =	strace $0x90000047  }
0xef: {  	s31 =	stileid.u32;
	[bflag:$0x2] =	sbarrier.arrive $0xFFFF  }
0xf0: {  	p0 =	sne.s32 s31, $0x0;
	s0 =	rddreg [dreg:$0x3]  }
0xf1: {  	s0 =	sadd.s32 @!p0 $0x100000, s0  }
0xf2: {  	[sflag:s0] =	ssyncadd.tile.s32 @!p0 $0x1;
	_ =	shalt  }
.Lfunc_end2:
_tile_overlayer_lowered:
.L_overlay_start_2:
0xf3: {  	(tag) =	ssettag $0x2  }
0xf4: {  	s0 =	rddreg [dreg:$0x0];
	s2 =	stileid.u32  }
0xf5: {  	s1 =	rddreg [dreg:$0x1];
	p0 =	sne.s32 s2, $0x0  }
0xf6: {  	s3 =	rddreg [dreg:$0x2];
	[bflag:$0x3] =	sbarrier.arrive $0xFFFF;
	s2 =	simm.s32 @!p0 $0x1C02  }
0xf7: {  	[timem:s3], [sflag:s2] =	dma.local @!p0 [hbm:s0], s1  }
0xf8: {  	s0 =	simm.s32 @!p0 $0x2  }
0xf9: {  	_ =	swait.ge @!p0 [sflag:s0], s1  }
0xfa: {  	s1 =	ssub.s32 @!p0 $0x0, s1;
	[sflag:s0] =	ssyncset.done @!p0 $0x0  }
0xfb: {  	[sflag:s0] =	ssyncadd.s32 @!p0 s1  }
0xfc: {  	[bflag:$0x3] =	sbarrier.arrive $0xFFFF  }
0xfd: {  	_ =	shalt  }

// kernel: kernel.8.cloned.1.call-start
scs
__scs_entry_jumppad:
0x0: {  	(pc) =	sbr.rel $0x88, $3  }
0x1: {  	(tag) =	ssettag $0x0;
	lr =	simm.s32 $0x1  }
0x2: {  	[smem:$0x3F98] =	sst lr;
	_ =	strace $0xD0000000  }
0x3: {  	_ = 	snop  }
0x4: {  	_ = 	snop  }
0x5: {  	_ = 	snop  }
0x6: {  	_ = 	snop  }
0x7: {  	_ = 	snop  }
__scs_overlays_trampoline_lowered:
0x8: {  	[smem:$0x3FA7] =	sst s0  }
0x9: {  	[smem:$0x3FA8] =	sst s1  }
0xa: {  	[smem:$0x3FA9] =	sst s2  }
0xb: {  	[smem:$0x3FAA] =	sst s3  }
0xc: {  	[smem:$0x3FAB] =	sst s4  }
0xd: {  	[smem:$0x3FAC] =	sst s5  }
0xe: {  	[smem:$0x3FAD] =	sst s6  }
0xf: {  	[smem:$0x3FAE] =	sst s7  }
0x10: {  	[smem:$0x3FAF] =	sst s8  }
0x11: {  	[smem:$0x3FB0] =	sst s9;
	s0 =	simm.s32 @!p0 $0x0  }
0x12: {  	s1 =	sld [smem:$0x3F96];
	s0 =	simm.s32 @p0 $0x1  }
0x13: {  	[smem:$0x3FB1] =	sst s0;
	s0 =	simm.s32 @!p1 $0x0  }
0x14: {  	s2 =	sld [smem:$0x3F95];
	s0 =	simm.s32 @p1 $0x1  }
0x15: {  	[smem:$0x3FB2] =	sst s0;
	s0 =	simm.s32 @!p2 $0x0  }
0x16: {  	s3 =	sld [smem:$0x3FDB];
	s0 =	simm.s32 @p2 $0x1  }
0x17: {  	s4 =	simm.s32 $0x1BF5;
	[smem:$0x3FB4] =	sst s0  }
0x18: {  	s0 =	sld [smem:$0x3F97];
	_ =	swait.ge [sflag:s4], $0x0  }
0x19: {  	s7 =	sld [smem:$0x3F98]  }
0x1a: {  	s8 =	sadd.s32 $0xFFFFE003, lr  }
0x1b: {  	s9 =	sadd.s32 $0xFFFFFEF7, lr;
	s5 =	simm.s32 $0xFFFFFFFF;
	p2 =	slt.u32 s8, $0xFFFFF086  }
0x1c: {  	p1 =	slt.u32 s9, $0xF7A;
	s5 =	simm.s32 @!p2 $0x0  }
0x1d: {  	s5 =	simm.s32 @p1 $0x1;
	p0 =	seq.s32 s7, s2  }
0x1e: {  	s7 =	smul.u32 @!p0 $0xF7A, s2;
	p2 =	seq.s32 @!p0 s5, $0x0  }
0x1f: {  	s9 =	smul.u32 $0xF7A, s1;
	s8 =	simm.s32 @!p0 $0x1BF5;
	p2 =	por !p2, p0  }
0x20: {  	[sflag:s8] =	ssyncset.s32 @!p0 $0xFFFFF086;
	s6 =	sadd.s32 @!p0 s3, s7;
	s7 =	simm.s32 @!p0 $0x108  }
0x21: {  	s3 =	sadd.s32 s3, s9;
	s6 =	sadd.s32 @!p0 $0x88, s6;
	s7 =	simm.s32 @p2 $0x1082  }
0x22: {  	[simem:s7], [sflag:s8] =	dma.local @!p0 [hbm:s6], $0xF7A  }
0x23: {  	s9 =	sor.u32 $0xD0000000, s2;
	s6 =	simm.s32 $0x108;
	_ =	swait.ge @!p0 [sflag:s8], $0x0  }
0x24: {  	s3 =	sadd.s32 $0x88, s3;
	s6 =	simm.s32 @!p1 $0x1082;
	[sflag:s4] =	ssyncset.s32 $0xFFFFF086  }
0x25: {  	[simem:s6], [sflag:s4] =	dma.local [hbm:s3], $0xF7A  }
0x26: {  	[smem:$0x3F98] =	sst s1;
	(tag) =	ssettag s2;
	_ =	strace s9  }
0x27: {  	s1 =	sld [smem:$0x3FA8]  }
0x28: {  	s2 =	sld [smem:$0x3FA9]  }
0x29: {  	s4 =	sld [smem:$0x3FAB]  }
0x2a: {  	p0 =	seq.s32 s5, $0x0;
	s5 =	sld [smem:$0x3FAC]  }
0x2b: {  	s6 =	sld [smem:$0x3FAD]  }
0x2c: {  	s7 =	sld [smem:$0x3FAE]  }
0x2d: {  	s3 =	simm.s32 $0x108;
	s8 =	sld [smem:$0x3FAF]  }
0x2e: {  	s3 =	simm.s32 @!p0 $0x1082;
	s9 =	sld [smem:$0x3FB0]  }
0x2f: {  	lr =	sadd.s32 s0, s3;
	s0 =	sld [smem:$0x3FA7]  }
0x30: {  	s3 =	sld [smem:$0x3FAA]  }
0x31: {  	[smem:$0x3FB3] =	sst s10  }
0x32: {  	s10 =	sld [smem:$0x3FB1];
	_ =	sdelay $0x3  }
0x33: {  	p0 =	seq.s32 s10, $0x1;
	s10 =	sld [smem:$0x3FB3];
	_ =	sdelay $0x3  }
0x34: {  	[smem:$0x3FB3] =	sst s10  }
0x35: {  	s10 =	sld [smem:$0x3FB2];
	_ =	sdelay $0x3  }
0x36: {  	p1 =	seq.s32 s10, $0x1;
	s10 =	sld [smem:$0x3FB3];
	_ =	sdelay $0x3  }
0x37: {  	[smem:$0x3FB3] =	sst s10  }
0x38: {  	s10 =	sld [smem:$0x3FB4]  }
0x39: {  	_ = 	snop;
	(pc) =	sbr.ind lr, $3  }
0x3a: {  	_ = 	snop  }
0x3b: {  	_ = 	snop  }
0x3c: {  	p2 =	seq.s32 s10, $0x1;
	s10 =	sld [smem:$0x3FB3]  }
0x3d: {  	_ =	shalt  }
0x3e: {  	_ =	shalt  }
0x3f: {  	_ =	shalt  }
0x40: {  	_ =	shalt  }
0x41: {  	_ =	shalt  }
0x42: {  	_ =	shalt  }
0x43: {  	_ =	shalt  }
0x44: {  	_ =	shalt  }
0x45: {  	_ =	shalt  }
0x46: {  	_ =	shalt  }
0x47: {  	_ =	shalt  }
0x48: {  	_ =	shalt  }
0x49: {  	_ =	shalt  }
0x4a: {  	_ =	shalt  }
0x4b: {  	_ =	shalt  }
0x4c: {  	_ =	shalt  }
0x4d: {  	_ =	shalt  }
0x4e: {  	_ =	shalt  }
0x4f: {  	_ =	shalt  }
0x50: {  	_ =	shalt  }
0x51: {  	_ =	shalt  }
0x52: {  	_ =	shalt  }
0x53: {  	_ =	shalt  }
0x54: {  	_ =	shalt  }
0x55: {  	_ =	shalt  }
0x56: {  	_ =	shalt  }
0x57: {  	_ =	shalt  }
0x58: {  	_ =	shalt  }
0x59: {  	_ =	shalt  }
0x5a: {  	_ =	shalt  }
0x5b: {  	_ =	shalt  }
0x5c: {  	_ =	shalt  }
0x5d: {  	_ =	shalt  }
0x5e: {  	_ =	shalt  }
0x5f: {  	_ =	shalt  }
0x60: {  	_ =	shalt  }
0x61: {  	_ =	shalt  }
0x62: {  	_ =	shalt  }
0x63: {  	_ =	shalt  }
0x64: {  	_ =	shalt  }
0x65: {  	_ =	shalt  }
0x66: {  	_ =	shalt  }
0x67: {  	_ =	shalt  }
0x68: {  	_ =	shalt  }
0x69: {  	_ =	shalt  }
0x6a: {  	_ =	shalt  }
0x6b: {  	_ =	shalt  }
0x6c: {  	_ =	shalt  }
0x6d: {  	_ =	shalt  }
0x6e: {  	_ =	shalt  }
0x6f: {  	_ =	shalt  }
0x70: {  	_ =	shalt  }
0x71: {  	_ =	shalt  }
0x72: {  	_ =	shalt  }
0x73: {  	_ =	shalt  }
0x74: {  	_ =	shalt  }
0x75: {  	_ =	shalt  }
0x76: {  	_ =	shalt  }
0x77: {  	_ =	shalt  }
0x78: {  	_ =	shalt  }
0x79: {  	_ =	shalt  }
0x7a: {  	_ =	shalt  }
0x7b: {  	_ =	shalt  }
0x7c: {  	_ =	shalt  }
0x7d: {  	_ =	shalt  }
0x7e: {  	_ =	shalt  }
0x7f: {  	_ =	shalt  }
0x80: {  	_ =	shalt  }
0x81: {  	_ =	shalt  }
0x82: {  	_ =	shalt  }
0x83: {  	_ =	shalt  }
0x84: {  	_ =	shalt  }
0x85: {  	_ =	shalt  }
0x86: {  	_ =	shalt  }
0x87: {  	_ =	shalt  }
.Lfunc_end0:
.L_simem_size_0:
called_computation.1_lowered:
.L_overlay_start_0:
0x88: {  	s2 =	sld [smem:$0x3FD9]  }
0x89: {  	s3 =	sld [smem:$0x3FFE];
	_ =	sdelay $0x1  }
0x8a: {  	s1 =	srdreg.scid  }
0x8b: {  	s0 =	sand.u32 $0x1, s1  }
0x8c: {  	s14 =	sshll.u32 s0, $0xA;
	s2 =	sadd.s32 s3, s2  }
0x8d: {  	s2 =	sadd.s32 s2, s14  }
0x8e: {  	[smem:$0x3FBF] =	sst s2  }
0x8f: {  	_ = 	snop  }
0x90: {  	s2 =	sld [smem:$0x3FD0];
	_ =	sdelay $0x2  }
0x91: {  	s15 =	simm.s32 $0xA;
	s4 =	simm.s32 $0x10  }
0x92: {  	[smem:s4], [sflag:s15] =	dma.local [hbm:s2], $0x1  }
0x93: {  	_ =	swait.eq [sflag:s15], $0x1  }
0x94: {  	[sflag:s15] =	ssyncset.done $0x0  }
0x95: {  	s16 =	sld [smem:$0x10];
	[sflag:s15] =	ssyncadd.s32 $0xFFFFFFFF  }
0x96: {  	s17 =	sld [smem:$0x11];
	(tm) =	ssettm $0x1  }
0x97: {  	s18 =	sld [smem:$0x3FFB];
	_ =	sdelay $0x3  }
0x98: {  	_ =	strace s18  }
0x99: {  	s4 =	sld [smem:$0x3FFC];
	_ =	sdelay $0x3  }
0x9a: {  	_ =	strace s4  }
0x9b: {  	s4 =	sld [smem:$0x3FFD];
	_ =	sdelay $0x3  }
0x9c: {  	_ =	strace s4  }
0x9d: {  	_ =	strace $0x8FFFFFFF  }
0x9e: {  	s19 =	sld [smem:$0x3FDB];
	_ =	sdelay $0x1  }
0x9f: {  	s5 =	simm.s32 $_scs_section_size  }
0xa0: {  	s6 =	simm.s32 $_size__tile_overlayer_lowered;
	s7 =	simm.s32 $_tile_overlayer_lowered  }
0xa1: {  	s22 =	simm.s32 $0x1BFF;
	s21 =	sshll.u32 s7, $0x1;
	s4 =	sadd.s32 s5, s19  }
0xa2: {  	s8 =	simm.s32 $0x0;
	s20 =	sshll.u32 s6, $0x1;
	s6 =	sadd.s32 s21, s4  }
0xa3: {  	[timem:s8], [sflag:s22] =	dma.local [hbm:s6], s20  }
0xa4: {  	_ =	swait.ge [sflag:s22], s20  }
0xa5: {  	s5 =	ssub.s32 $0x0, s20;
	[sflag:s22] =	ssyncset.done $0x0  }
0xa6: {  	[sflag:s22] =	ssyncadd.s32 s5;
	_ =	sdelay $0x1  }
0xa7: {  	s23 =	simm.s32 $0x1B8B  }
0xa8: {  	_ =	swait.ge [sflag:s23], $0x1  }
0xa9: {  	[sflag:s23] =	ssyncset.done $0x0  }
0xaa: {  	s25 =	simm.s32 $0x1B8E;
	s24 =	sld [smem:$0x3FFE];
	[sflag:s23] =	ssyncadd.s32 $0xFFFFFFFF  }
0xab: {  	s26 =	simm.s32 $execute0_lowered;
	[smem:$0x3FD2] =	sst s25  }
0xac: {  	s6 =	sshll.u32 s26, $0x1;
	_ =	strace $0x80000049;
	[dreg:$0x1] =	wrdreg $0xFFFFFFFF  }
0xad: {  	s28 =	simm.s32 $_size_execute0_lowered;
	s4 =	sadd.s32 s4, s6;
	[dreg:$0x0] =	wrdreg $0x0  }
0xae: {  	s6 =	sshll.u32 s28, $0x1;
	[dreg:$0x2] =	wrdreg s4  }
0xaf: {  	[dreg:$0x3] =	wrdreg s6  }
0xb0: {  	[dreg:$0x4] =	wrdreg $0xC0  }
0xb1: {  	_ =	task [dreg:s8], $0x5FFFF  }
0xb2: {  	[dreg:$0x1] =	wrdreg $0xFFFFFFFF  }
0xb3: {  	[dreg:$0x0] =	wrdreg $0x60  }
0xb4: {  	[dreg:$0x2] =	wrdreg s24  }
0xb5: {  	[dreg:$0x3] =	wrdreg s16  }
0xb6: {  	[dreg:$0x4] =	wrdreg s17  }
0xb7: {  	[dreg:$0x5] =	wrdreg $0x9  }
0xb8: {  	_ =	task.clear_ibuf [dreg:s8], $0x6FFFF;
	_ =	strace $0x90000049  }
0xb9: {  	s29 =	simm.s32 $0x9;
	_ =	strace $0x8000004B  }
0xba: {  	_ =	swait.ge [sflag:s29], $0x1  }
0xbb: {  	[sflag:s29] =	ssyncadd.s32 $0xFFFFFFFF  }
0xbc: {  	_ =	strace $0x9000004B  }
0xbd: {  	_ =	sfence  }
0xbe: {  	s30 =	sld [smem:$0x0];
	_ =	sdelay $0x2  }
0xbf: {  	s31 =	sshll.u32 s1, $0xD;
	s1 =	sshrl.u32 s1, $0x2  }
0xc0: {  	s3 =	sand.u32 $0x4000, s31;
	s1 =	sadd.s32 s1, s30  }
0xc1: {  	s0 =	sor.u32 s3, s0;
	s1 =	sshll.u32 s1, $0x11  }
0xc2: {  	s0 =	sor.u32 s1, s0  }
0xc3: {  	s0 =	sadd.s32 $0x8F2B, s0  }
0xc4: {  	[sflag:s0] =	ssyncadd.remote.s32 $0x1  }
0xc5: {  	_ =	sfence.sel $0xFFFF  }
0xc6: {  	[dreg:$0x0] =	wrdreg $0xFFFFFFFF;
	(pc) =	sbr.abs _section_cstart, $3  }
0xc7: {  	[dreg:$0x1] =	wrdreg $0xFFFFFFFF  }
0xc8: {  	_ =	task.clear_ibuf [dreg:s8], $0x2FFFF;
	_ =	strace $0x9FFFFFFF  }
0xc9: {  	(tm) =	ssettm $0x7FFFFFFF  }
tec
execute0_lowered:
.L_overlay_start_1:
0x0: {  	(tag) =	ssettag $0x1  }
0x1: {  	s0 =	srdreg.scid;
	s1 =	rddreg [dreg:$0x0]  }
0x2: {  	s2 =	stileid.u32;
	s3 =	rddreg [dreg:$0x1];
	s7 =	simm.s32 $0x680  }
0x3: {  	s8 =	simm.s32 $0x700;
	s9 =	simm.s32 $0x100;
	s10 =	simm.s32 $0x780  }
0x4: {  	s11 =	simm.s32 $0x180;
	s12 =	simm.s32 $0x800;
	s13 =	simm.s32 $0x200  }
0x5: {  	s14 =	simm.s32 $0x880;
	s15 =	simm.s32 $0x280;
	s16 =	simm.s32 $0x900  }
0x6: {  	s17 =	simm.s32 $0x300;
	s18 =	simm.s32 $0x980;
	s19 =	simm.s32 $0x380  }
0x7: {  	s20 =	simm.s32 $0xA00;
	s21 =	simm.s32 $0x400;
	s22 =	simm.s32 $0xA80  }
0x8: {  	s23 =	simm.s32 $0x480;
	s0 =	sand.u32 $0x1, s0;
	s2 =	sshll.u32 s2, $0x1  }
0x9: {  	s24 =	simm.s32 $0xB00;
	s4 =	sor.u32 s0, s2;
	s0 =	ssub.s32 $0x2, s0  }
0xa: {  	s25 =	simm.s32 $0x500;
	p0 =	por $0x0, $0x0;
	s6 =	sshrl.u32 s0, $0x1  }
0xb: {  	s28 =	simm.s32 $0x580;
	s29 =	simm.s32 $0xC00;
	s0 =	ssub.s32 s0, s6  }
0xc: {  	s30 =	simm.s32 $0x600;
	s2 =	rddreg [dreg:$0x2];
	s0 =	smax.u32 s0, $0x1  }
0xd: {  	s5 =	smul.u32 $0xD0, s4;
	s4 =	simm.s32 $0x0;
	p1 =	sne.s32 s0, $0x1  }
.Ltmp0:
0xe: {  	s31 =	simm.s32 $0xC80;
	[smem:$0x7FF] =	sst s4;
	(pc) =	sbr.rel @!p1 .LBB2_3-.Ltmp0, $4  }
0xf: {  	s6 =	simm.s32 $0x2;
	s1 =	sadd.s32 s5, s1;
	s26 =	sadd.s32 s3, s5  }
0x10: {  	_ =	strace $0x8000004A;
	s1 =	sadd.s32 $0x800, s1;
	[dreg:$0x5] =	wrdreg s26  }
0x11: {  	s5 =	simm.s32 $0x80;
	s3 =	simm.s32 $0x1;
	[dreg:$0x4] =	wrdreg s1  }
0x12: {  	s26 =	simm.s32 $0xB80;
	s1 =	sadd.s32 $0xFFFFFFFF, s0;
	s0 =	rddreg [dreg:$0x4]  }
0x13: {  	[tilespmem:s4], [sflag:$0x2] =	stream.linear.gather [hbm4b:s0+s4], $0x680, $0x38;
	[tilespmem:$0xD00] =	vst v63  }
0x14: {  	_ =	swait.ge [sflag:s6], $0x680  }
0x15: {  	[sflag:s6] =	ssyncset.done $0x0  }
0x16: {  	s0 =	rddreg [dreg:$0x5];
	[sflag:s6] =	ssyncadd.s32 $0xFFFFF980  }
0x17: {  	[tilespmem:s7], [sflag:$0x2] =	stream.linear.gather [hbm4b:s0+s4], $0x680, $0x38;
	[tilespmem:$0xD00] =	vst v63  }
0x18: {  	_ =	swait.ge [sflag:s6], $0x680  }
0x19: {  	[sflag:s6] =	ssyncset.done $0x0  }
0x1a: {  	[sflag:s6] =	ssyncadd.s32 $0xFFFFF980  }
0x1b: {  	[hbm4b:s2+s5] =	stream.indirect.scatter [tilespmem:s7], [sflag:$0x1], $0x1, s4, s5, $0xb8;
	[tilespmem:$0xD00] =	vst v63  }
0x1c: {  	_ = 	snop  }
0x1d: {  	[hbm4b:s2+s5] =	stream.indirect.scatter [tilespmem:s8], [sflag:$0x1], $0x1, s5, s5, $0xb8;
	[tilespmem:$0xD00] =	vst v63  }
0x1e: {  	_ = 	snop  }
0x1f: {  	[hbm4b:s2+s5] =	stream.indirect.scatter [tilespmem:s10], [sflag:$0x1], $0x1, s9, s5, $0xb8;
	[tilespmem:$0xD00] =	vst v63  }
0x20: {  	_ = 	snop  }
0x21: {  	[hbm4b:s2+s5] =	stream.indirect.scatter [tilespmem:s12], [sflag:$0x1], $0x1, s11, s5, $0xb8;
	[tilespmem:$0xD00] =	vst v63  }
0x22: {  	_ = 	snop  }
0x23: {  	[hbm4b:s2+s5] =	stream.indirect.scatter [tilespmem:s14], [sflag:$0x1], $0x1, s13, s5, $0xb8;
	[tilespmem:$0xD00] =	vst v63  }
0x24: {  	_ = 	snop  }
0x25: {  	[hbm4b:s2+s5] =	stream.indirect.scatter [tilespmem:s16], [sflag:$0x1], $0x1, s15, s5, $0xb8;
	[tilespmem:$0xD00] =	vst v63  }
0x26: {  	_ = 	snop  }
0x27: {  	[hbm4b:s2+s5] =	stream.indirect.scatter [tilespmem:s18], [sflag:$0x1], $0x1, s17, s5, $0xb8;
	[tilespmem:$0xD00] =	vst v63  }
0x28: {  	_ = 	snop  }
0x29: {  	[hbm4b:s2+s5] =	stream.indirect.scatter [tilespmem:s20], [sflag:$0x1], $0x1, s19, s5, $0xb8;
	[tilespmem:$0xD00] =	vst v63  }
0x2a: {  	_ = 	snop  }
0x2b: {  	[hbm4b:s2+s5] =	stream.indirect.scatter [tilespmem:s22], [sflag:$0x1], $0x1, s21, s5, $0xb8;
	[tilespmem:$0xD00] =	vst v63  }
0x2c: {  	_ = 	snop  }
0x2d: {  	[hbm4b:s2+s5] =	stream.indirect.scatter [tilespmem:s24], [sflag:$0x1], $0x1, s23, s5, $0xb8;
	[tilespmem:$0xD00] =	vst v63  }
0x2e: {  	_ = 	snop  }
0x2f: {  	[hbm4b:s2+s5] =	stream.indirect.scatter [tilespmem:s26], [sflag:$0x1], $0x1, s25, s5, $0xb8;
	[tilespmem:$0xD00] =	vst v63  }
0x30: {  	_ = 	snop  }
0x31: {  	[hbm4b:s2+s5] =	stream.indirect.scatter [tilespmem:s29], [sflag:$0x1], $0x1, s28, s5, $0xb8;
	[tilespmem:$0xD00] =	vst v63  }
0x32: {  	_ = 	snop  }
0x33: {  	[hbm4b:s2+s5] =	stream.indirect.scatter [tilespmem:s31], [sflag:$0x1], $0x1, s30, s5, $0xb8;
	[tilespmem:$0xD00] =	vst v63  }
0x34: {  	_ =	swait.ge [sflag:s3], $0x80  }
0x35: {  	[sflag:s3] =	ssyncset.done $0x0  }
0x36: {  	[sflag:s3] =	ssyncadd.s32 $0xFFFFFF80  }
0x37: {  	_ =	swait.ge [sflag:s3], $0x80  }
0x38: {  	[sflag:s3] =	ssyncset.done $0x0  }
0x39: {  	[sflag:s3] =	ssyncadd.s32 $0xFFFFFF80  }
0x3a: {  	_ =	swait.ge [sflag:s3], $0x80  }
0x3b: {  	[sflag:s3] =	ssyncset.done $0x0  }
0x3c: {  	[sflag:s3] =	ssyncadd.s32 $0xFFFFFF80  }
0x3d: {  	_ =	swait.ge [sflag:s3], $0x80  }
0x3e: {  	[sflag:s3] =	ssyncset.done $0x0  }
0x3f: {  	[sflag:s3] =	ssyncadd.s32 $0xFFFFFF80  }
0x40: {  	_ =	swait.ge [sflag:s3], $0x80  }
0x41: {  	[sflag:s3] =	ssyncset.done $0x0  }
0x42: {  	[sflag:s3] =	ssyncadd.s32 $0xFFFFFF80  }
0x43: {  	_ =	swait.ge [sflag:s3], $0x80  }
0x44: {  	[sflag:s3] =	ssyncset.done $0x0  }
0x45: {  	[sflag:s3] =	ssyncadd.s32 $0xFFFFFF80  }
0x46: {  	_ =	swait.ge [sflag:s3], $0x80  }
0x47: {  	[sflag:s3] =	ssyncset.done $0x0  }
0x48: {  	[sflag:s3] =	ssyncadd.s32 $0xFFFFFF80  }
0x49: {  	_ =	swait.ge [sflag:s3], $0x80  }
0x4a: {  	[sflag:s3] =	ssyncset.done $0x0  }
0x4b: {  	[sflag:s3] =	ssyncadd.s32 $0xFFFFFF80  }
0x4c: {  	_ =	swait.ge [sflag:s3], $0x80  }
0x4d: {  	[sflag:s3] =	ssyncset.done $0x0  }
0x4e: {  	[sflag:s3] =	ssyncadd.s32 $0xFFFFFF80  }
0x4f: {  	_ =	swait.ge [sflag:s3], $0x80  }
0x50: {  	[sflag:s3] =	ssyncset.done $0x0  }
0x51: {  	[sflag:s3] =	ssyncadd.s32 $0xFFFFFF80  }
0x52: {  	_ =	swait.ge [sflag:s3], $0x80  }
0x53: {  	[sflag:s3] =	ssyncset.done $0x0  }
0x54: {  	p1 =	sne.s32 s1, $0x1;
	[sflag:s3] =	ssyncadd.s32 $0xFFFFFF80  }
.Ltmp1:
0x55: {  	_ =	swait.ge [sflag:s3], $0x80;
	(pc) =	sbr.rel @!p1 .LBB2_3-.Ltmp1, $4  }
0x56: {  	[sflag:s3] =	ssyncset.done $0x0  }
0x57: {  	[sflag:s3] =	ssyncadd.s32 $0xFFFFFF80  }
0x58: {  	s1 =	sadd.s32 $0xFFFFFFFF, s1;
	_ =	swait.ge [sflag:s3], $0x80  }
0x59: {  	p0 =	por $0x1, $0x1;
	s0 =	rddreg [dreg:$0x4];
	[sflag:s3] =	ssyncset.done $0x0  }
.LBB2_2:
0x5a: {  	[sflag:s3] =	ssyncadd.s32 $0xFFFFFF80  }
0x5b: {  	[tilespmem:s4], [sflag:$0x2] =	stream.linear.gather [hbm4b:s0+s4], $0x680, $0x38;
	[tilespmem:$0xD00] =	vst v63  }
0x5c: {  	_ =	swait.ge [sflag:s6], $0x680  }
0x5d: {  	[sflag:s6] =	ssyncset.done $0x0  }
0x5e: {  	s0 =	rddreg [dreg:$0x5];
	[sflag:s6] =	ssyncadd.s32 $0xFFFFF980  }
0x5f: {  	[tilespmem:s7], [sflag:$0x2] =	stream.linear.gather [hbm4b:s0+s4], $0x680, $0x38;
	[tilespmem:$0xD00] =	vst v63  }
0x60: {  	_ =	swait.ge [sflag:s6], $0x680  }
0x61: {  	[sflag:s6] =	ssyncset.done $0x0  }
0x62: {  	[sflag:s6] =	ssyncadd.s32 $0xFFFFF980  }
0x63: {  	[hbm4b:s2+s5] =	stream.indirect.scatter [tilespmem:s7], [sflag:$0x1], $0x1, s4, s5, $0xb8;
	[tilespmem:$0xD00] =	vst v63  }
0x64: {  	_ = 	snop  }
0x65: {  	[hbm4b:s2+s5] =	stream.indirect.scatter [tilespmem:s8], [sflag:$0x1], $0x1, s5, s5, $0xb8;
	[tilespmem:$0xD00] =	vst v63  }
0x66: {  	_ = 	snop  }
0x67: {  	[hbm4b:s2+s5] =	stream.indirect.scatter [tilespmem:s10], [sflag:$0x1], $0x1, s9, s5, $0xb8;
	[tilespmem:$0xD00] =	vst v63  }
0x68: {  	_ = 	snop  }
0x69: {  	[hbm4b:s2+s5] =	stream.indirect.scatter [tilespmem:s12], [sflag:$0x1], $0x1, s11, s5, $0xb8;
	[tilespmem:$0xD00] =	vst v63  }
0x6a: {  	_ = 	snop  }
0x6b: {  	[hbm4b:s2+s5] =	stream.indirect.scatter [tilespmem:s14], [sflag:$0x1], $0x1, s13, s5, $0xb8;
	[tilespmem:$0xD00] =	vst v63  }
0x6c: {  	_ = 	snop  }
0x6d: {  	[hbm4b:s2+s5] =	stream.indirect.scatter [tilespmem:s16], [sflag:$0x1], $0x1, s15, s5, $0xb8;
	[tilespmem:$0xD00] =	vst v63  }
0x6e: {  	_ = 	snop  }
0x6f: {  	[hbm4b:s2+s5] =	stream.indirect.scatter [tilespmem:s18], [sflag:$0x1], $0x1, s17, s5, $0xb8;
	[tilespmem:$0xD00] =	vst v63  }
0x70: {  	_ = 	snop  }
0x71: {  	[hbm4b:s2+s5] =	stream.indirect.scatter [tilespmem:s20], [sflag:$0x1], $0x1, s19, s5, $0xb8;
	[tilespmem:$0xD00] =	vst v63  }
0x72: {  	_ = 	snop  }
0x73: {  	[hbm4b:s2+s5] =	stream.indirect.scatter [tilespmem:s22], [sflag:$0x1], $0x1, s21, s5, $0xb8;
	[tilespmem:$0xD00] =	vst v63  }
0x74: {  	_ = 	snop  }
0x75: {  	[hbm4b:s2+s5] =	stream.indirect.scatter [tilespmem:s24], [sflag:$0x1], $0x1, s23, s5, $0xb8;
	[tilespmem:$0xD00] =	vst v63  }
0x76: {  	_ = 	snop  }
0x77: {  	[hbm4b:s2+s5] =	stream.indirect.scatter [tilespmem:s26], [sflag:$0x1], $0x1, s25, s5, $0xb8;
	[tilespmem:$0xD00] =	vst v63  }
0x78: {  	_ = 	snop  }
0x79: {  	[hbm4b:s2+s5] =	stream.indirect.scatter [tilespmem:s29], [sflag:$0x1], $0x1, s28, s5, $0xb8;
	[tilespmem:$0xD00] =	vst v63  }
0x7a: {  	_ = 	snop  }
0x7b: {  	[hbm4b:s2+s5] =	stream.indirect.scatter [tilespmem:s31], [sflag:$0x1], $0x1, s30, s5, $0xb8;
	[tilespmem:$0xD00] =	vst v63  }
0x7c: {  	_ =	swait.ge [sflag:s3], $0x80  }
0x7d: {  	[sflag:s3] =	ssyncset.done $0x0  }
0x7e: {  	[sflag:s3] =	ssyncadd.s32 $0xFFFFFF80  }
0x7f: {  	_ =	swait.ge [sflag:s3], $0x80  }
0x80: {  	[sflag:s3] =	ssyncset.done $0x0  }
0x81: {  	[sflag:s3] =	ssyncadd.s32 $0xFFFFFF80  }
0x82: {  	_ =	swait.ge [sflag:s3], $0x80  }
0x83: {  	[sflag:s3] =	ssyncset.done $0x0  }
0x84: {  	[sflag:s3] =	ssyncadd.s32 $0xFFFFFF80  }
0x85: {  	_ =	swait.ge [sflag:s3], $0x80  }
0x86: {  	[sflag:s3] =	ssyncset.done $0x0  }
0x87: {  	[sflag:s3] =	ssyncadd.s32 $0xFFFFFF80  }
0x88: {  	_ =	swait.ge [sflag:s3], $0x80  }
0x89: {  	[sflag:s3] =	ssyncset.done $0x0  }
0x8a: {  	[sflag:s3] =	ssyncadd.s32 $0xFFFFFF80  }
0x8b: {  	_ =	swait.ge [sflag:s3], $0x80  }
0x8c: {  	[sflag:s3] =	ssyncset.done $0x0  }
0x8d: {  	[sflag:s3] =	ssyncadd.s32 $0xFFFFFF80  }
0x8e: {  	_ =	swait.ge [sflag:s3], $0x80  }
0x8f: {  	[sflag:s3] =	ssyncset.done $0x0  }
0x90: {  	[sflag:s3] =	ssyncadd.s32 $0xFFFFFF80  }
0x91: {  	_ =	swait.ge [sflag:s3], $0x80  }
0x92: {  	[sflag:s3] =	ssyncset.done $0x0  }
0x93: {  	[sflag:s3] =	ssyncadd.s32 $0xFFFFFF80  }
0x94: {  	_ =	swait.ge [sflag:s3], $0x80  }
0x95: {  	[sflag:s3] =	ssyncset.done $0x0  }
0x96: {  	[sflag:s3] =	ssyncadd.s32 $0xFFFFFF80  }
0x97: {  	_ =	swait.ge [sflag:s3], $0x80  }
0x98: {  	[sflag:s3] =	ssyncset.done $0x0  }
0x99: {  	[sflag:s3] =	ssyncadd.s32 $0xFFFFFF80  }
0x9a: {  	_ =	swait.ge [sflag:s3], $0x80  }
0x9b: {  	[sflag:s3] =	ssyncset.done $0x0  }
0x9c: {  	p1 =	sne.s32 s1, $0x1;
	[sflag:s3] =	ssyncadd.s32 $0xFFFFFF80  }
.Ltmp2:
0x9d: {  	_ =	swait.ge [sflag:s3], $0x80;
	(pc) =	sbr.rel @p1 .LBB2_2-.Ltmp2, $4  }
0x9e: {  	[sflag:s3] =	ssyncset.done $0x0  }
0x9f: {  	[sflag:s3] =	ssyncadd.s32 $0xFFFFFF80  }
0xa0: {  	_ =	swait.ge [sflag:s3], $0x80  }
0xa1: {  	s1 =	sadd.s32 $0xFFFFFFFF, s1;
	s0 =	rddreg [dreg:$0x4];
	[sflag:s3] =	ssyncset.done $0x0  }
.LBB2_3:
0xa2: {  	[sflag:s3] =	ssyncadd.s32 @p0 $0xFFFFFF80  }
0xa3: {  	[tilespmem:s4], [sflag:$0x2] =	stream.linear.gather [hbm4b:s0+s4], $0x680, $0x38;
	[tilespmem:$0xD00] =	vst v63  }
0xa4: {  	_ =	swait.ge [sflag:s6], $0x680  }
0xa5: {  	[sflag:s6] =	ssyncset.done $0x0  }
0xa6: {  	s1 =	rddreg [dreg:$0x5];
	[sflag:s6] =	ssyncadd.s32 $0xFFFFF980  }
0xa7: {  	[tilespmem:s7], [sflag:$0x2] =	stream.linear.gather [hbm4b:s1+s4], $0x680, $0x38;
	[tilespmem:$0xD00] =	vst v63  }
0xa8: {  	_ =	swait.ge [sflag:s6], $0x680  }
0xa9: {  	[sflag:s6] =	ssyncset.done $0x0  }
0xaa: {  	[sflag:s6] =	ssyncadd.s32 $0xFFFFF980  }
0xab: {  	[hbm4b:s2+s5] =	stream.indirect.scatter [tilespmem:s7], [sflag:$0x1], $0x1, s4, s5, $0xb8;
	[tilespmem:$0xD00] =	vst v63  }
0xac: {  	_ = 	snop  }
0xad: {  	[hbm4b:s2+s5] =	stream.indirect.scatter [tilespmem:s8], [sflag:$0x1], $0x1, s5, s5, $0xb8;
	[tilespmem:$0xD00] =	vst v63  }
0xae: {  	_ = 	snop  }
0xaf: {  	[hbm4b:s2+s5] =	stream.indirect.scatter [tilespmem:s10], [sflag:$0x1], $0x1, s9, s5, $0xb8;
	[tilespmem:$0xD00] =	vst v63  }
0xb0: {  	_ = 	snop  }
0xb1: {  	[hbm4b:s2+s5] =	stream.indirect.scatter [tilespmem:s12], [sflag:$0x1], $0x1, s11, s5, $0xb8;
	[tilespmem:$0xD00] =	vst v63  }
0xb2: {  	_ = 	snop  }
0xb3: {  	[hbm4b:s2+s5] =	stream.indirect.scatter [tilespmem:s14], [sflag:$0x1], $0x1, s13, s5, $0xb8;
	[tilespmem:$0xD00] =	vst v63  }
0xb4: {  	_ = 	snop  }
0xb5: {  	[hbm4b:s2+s5] =	stream.indirect.scatter [tilespmem:s16], [sflag:$0x1], $0x1, s15, s5, $0xb8;
	[tilespmem:$0xD00] =	vst v63  }
0xb6: {  	_ = 	snop  }
0xb7: {  	[hbm4b:s2+s5] =	stream.indirect.scatter [tilespmem:s18], [sflag:$0x1], $0x1, s17, s5, $0xb8;
	[tilespmem:$0xD00] =	vst v63  }
0xb8: {  	_ = 	snop  }
0xb9: {  	[hbm4b:s2+s5] =	stream.indirect.scatter [tilespmem:s20], [sflag:$0x1], $0x1, s19, s5, $0xb8;
	[tilespmem:$0xD00] =	vst v63  }
0xba: {  	_ = 	snop  }
0xbb: {  	[hbm4b:s2+s5] =	stream.indirect.scatter [tilespmem:s22], [sflag:$0x1], $0x1, s21, s5, $0xb8;
	[tilespmem:$0xD00] =	vst v63  }
0xbc: {  	_ = 	snop  }
0xbd: {  	[hbm4b:s2+s5] =	stream.indirect.scatter [tilespmem:s24], [sflag:$0x1], $0x1, s23, s5, $0xb8;
	[tilespmem:$0xD00] =	vst v63  }
0xbe: {  	_ = 	snop  }
0xbf: {  	[hbm4b:s2+s5] =	stream.indirect.scatter [tilespmem:s26], [sflag:$0x1], $0x1, s25, s5, $0xb8;
	[tilespmem:$0xD00] =	vst v63  }
0xc0: {  	_ = 	snop  }
0xc1: {  	[hbm4b:s2+s5] =	stream.indirect.scatter [tilespmem:s29], [sflag:$0x1], $0x1, s28, s5, $0xb8;
	[tilespmem:$0xD00] =	vst v63  }
0xc2: {  	_ = 	snop  }
0xc3: {  	[hbm4b:s2+s5] =	stream.indirect.scatter [tilespmem:s31], [sflag:$0x1], $0x1, s30, s5, $0xb8;
	[tilespmem:$0xD00] =	vst v63  }
0xc4: {  	_ =	swait.ge [sflag:s3], $0x80  }
0xc5: {  	[sflag:s3] =	ssyncset.done $0x0  }
0xc6: {  	[sflag:s3] =	ssyncadd.s32 $0xFFFFFF80  }
0xc7: {  	_ =	swait.ge [sflag:s3], $0x80  }
0xc8: {  	[sflag:s3] =	ssyncset.done $0x0  }
0xc9: {  	[sflag:s3] =	ssyncadd.s32 $0xFFFFFF80  }
0xca: {  	_ =	swait.ge [sflag:s3], $0x80  }
0xcb: {  	[sflag:s3] =	ssyncset.done $0x0  }
0xcc: {  	[sflag:s3] =	ssyncadd.s32 $0xFFFFFF80  }
0xcd: {  	_ =	swait.ge [sflag:s3], $0x80  }
0xce: {  	[sflag:s3] =	ssyncset.done $0x0  }
0xcf: {  	[sflag:s3] =	ssyncadd.s32 $0xFFFFFF80  }
0xd0: {  	_ =	swait.ge [sflag:s3], $0x80  }
0xd1: {  	[sflag:s3] =	ssyncset.done $0x0  }
0xd2: {  	[sflag:s3] =	ssyncadd.s32 $0xFFFFFF80  }
0xd3: {  	_ =	swait.ge [sflag:s3], $0x80  }
0xd4: {  	[sflag:s3] =	ssyncset.done $0x0  }
0xd5: {  	[sflag:s3] =	ssyncadd.s32 $0xFFFFFF80  }
0xd6: {  	_ =	swait.ge [sflag:s3], $0x80  }
0xd7: {  	[sflag:s3] =	ssyncset.done $0x0  }
0xd8: {  	[sflag:s3] =	ssyncadd.s32 $0xFFFFFF80  }
0xd9: {  	_ =	swait.ge [sflag:s3], $0x80  }
0xda: {  	[sflag:s3] =	ssyncset.done $0x0  }
0xdb: {  	[sflag:s3] =	ssyncadd.s32 $0xFFFFFF80  }
0xdc: {  	_ =	swait.ge [sflag:s3], $0x80  }
0xdd: {  	[sflag:s3] =	ssyncset.done $0x0  }
0xde: {  	[sflag:s3] =	ssyncadd.s32 $0xFFFFFF80  }
0xdf: {  	_ =	swait.ge [sflag:s3], $0x80  }
0xe0: {  	[sflag:s3] =	ssyncset.done $0x0  }
0xe1: {  	[sflag:s3] =	ssyncadd.s32 $0xFFFFFF80  }
0xe2: {  	_ =	swait.ge [sflag:s3], $0x80  }
0xe3: {  	[sflag:s3] =	ssyncset.done $0x0  }
0xe4: {  	[sflag:s3] =	ssyncadd.s32 $0xFFFFFF80  }
0xe5: {  	_ =	swait.ge [sflag:s3], $0x80  }
0xe6: {  	[sflag:s3] =	ssyncset.done $0x0  }
0xe7: {  	[sflag:s3] =	ssyncadd.s32 $0xFFFFFF80  }
0xe8: {  	_ =	swait.ge [sflag:s3], $0x80  }
0xe9: {  	[sflag:s3] =	ssyncset.done $0x0  }
0xea: {  	[sflag:s3] =	ssyncadd.s32 $0xFFFFFF80  }
0xeb: {  	_ =	sfence.sel $0x180000  }
0xec: {  	[bflag:$0x0] =	sbarrier.arrive $0xFFFF  }
0xed: {  	_ =	strace $0x9000004A  }
0xee: {  	s31 =	stileid.u32;
	[bflag:$0x2] =	sbarrier.arrive $0xFFFF  }
0xef: {  	p0 =	sne.s32 s31, $0x0;
	s0 =	rddreg [dreg:$0x3]  }
0xf0: {  	s0 =	sadd.s32 @!p0 $0x100000, s0  }
0xf1: {  	[sflag:s0] =	ssyncadd.tile.s32 @!p0 $0x1;
	_ =	shalt  }
.Lfunc_end2:
_tile_overlayer_lowered:
.L_overlay_start_2:
0xf2: {  	(tag) =	ssettag $0x2  }
0xf3: {  	s0 =	rddreg [dreg:$0x0];
	s2 =	stileid.u32  }
0xf4: {  	s1 =	rddreg [dreg:$0x1];
	p0 =	sne.s32 s2, $0x0  }
0xf5: {  	s3 =	rddreg [dreg:$0x2];
	[bflag:$0x3] =	sbarrier.arrive $0xFFFF;
	s2 =	simm.s32 @!p0 $0x1C02  }
0xf6: {  	[timem:s3], [sflag:s2] =	dma.local @!p0 [hbm:s0], s1  }
0xf7: {  	s0 =	simm.s32 @!p0 $0x2  }
0xf8: {  	_ =	swait.ge @!p0 [sflag:s0], s1  }
0xf9: {  	s1 =	ssub.s32 @!p0 $0x0, s1;
	[sflag:s0] =	ssyncset.done @!p0 $0x0  }
0xfa: {  	[sflag:s0] =	ssyncadd.s32 @!p0 s1  }
0xfb: {  	[bflag:$0x3] =	sbarrier.arrive $0xFFFF  }
0xfc: {  	_ =	shalt  }

</sc_bundles>
